<compile_context>
chip_gen: v7x
topology: tpu7x:2x2x1
jax: 0.10.2.dev20260603
libtpu: 0.0.44.dev20260713+nightly
codegen_flags: <defaults>
</compile_context>

<pallas_src>
import functools

import jax
import jax.numpy as jnp
from jax import lax
from jax.experimental import pallas as pl
from jax.experimental.pallas import tpu as pltpu
from jax.experimental.pallas import tpu_sc as plsc

_NUM_CORES = 2
_NUM_SUBCORES = 16
_NUM_WORKERS = _NUM_CORES * _NUM_SUBCORES

_ROWS = 1000000
_COLS = 64
_NUM_IDX = 4096
_IDX_PER_WORKER = _NUM_IDX // _NUM_WORKERS

_sc_mesh = plsc.VectorSubcoreMesh(
    core_axis_name="c", subcore_axis_name="s", num_cores=_NUM_CORES
)


@functools.partial(
    pl.kernel,
    mesh=_sc_mesh,
    scratch_types=[
        pltpu.VMEM((_IDX_PER_WORKER,), jnp.int32),
        pltpu.VMEM((_COLS,), jnp.float32),
        pltpu.SemaphoreType.DMA,
    ],
    compiler_params=pltpu.CompilerParams(needs_layout_passes=False),
)
def _sc_fill(y_hbm, idx_hbm, idx_v, neg_v, sem):
    wid = lax.axis_index("s") * _NUM_CORES + lax.axis_index("c")
    base = wid * _IDX_PER_WORKER

    pltpu.sync_copy(idx_hbm.at[pl.ds(base, _IDX_PER_WORKER)], idx_v)

    neg16 = jnp.full((16,), -1.0, dtype=jnp.float32)
    for l in range(_COLS // 16):
        neg_v[pl.ds(l * 16, 16)] = neg16

    @pl.loop(0, _IDX_PER_WORKER // 16)
    def _(c):
        v = idx_v[pl.ds(c * 16, 16)]
        for j in range(16):
            u = jnp.take_along_axis(
                v, jnp.full((16,), j, jnp.int32), axis=0,
                mode="promise_in_bounds",
            )
            r = lax.reduce_max(u, axes=(0,))
            pltpu.async_copy(neg_v, y_hbm.at[r], sem)

    @pl.loop(0, _IDX_PER_WORKER)
    def _(i):
        pltpu.make_async_copy(neg_v, y_hbm.at[0], sem).wait()


def kernel(x, index):
    y_ref = jax.new_ref(x)
    _sc_fill(y_ref, index)
    return jax.freeze(y_ref)

# --- scband reference (transcript-rebuilt; emitter-appended) ---
"""Pipeline reference for scband-index-fill-model-11879879542291 (READ-ONLY COPY).

The authoritative reference and input builder live on the scoring server;
editing this copy changes nothing except your own understanding.
"""

import jax, jax.numpy as jnp
import numpy as np


def setup_inputs(seed: int = 0) -> dict:
    key = jax.random.key(seed)
    k1, k2 = jax.random.split(key)
    x = jax.random.normal(k1, (1000000, 64), dtype=jnp.float32)
    index = jax.random.randint(k2, (4096,), 0, 1000000, dtype=jnp.int32)
    return {"x": x, "index": index}


def reference(x, index):
    # torch: x.index_fill_(dim=0, index, -1) -> overwrite selected rows with -1
    return x.at[index].set(-1.0)

if __name__ == "__main__":
    import jax
    _d = setup_inputs()
    print(jax.jit(kernel)(*tuple(_d.values())))

</pallas_src>

<mosaic_0001>
#map = affine_map<(d0, d1) -> (0, 0)>
#map1 = affine_map<(d0, d1) -> (0)>
module attributes {stable_mosaic.version = 14 : i64} {
  func.func @new_body(%arg0: i32, %arg1: i32, %arg2: memref<1000000x64xf32, #tpu.memory_space<hbm>>, %arg3: memref<4096xi32, #tpu.memory_space<hbm>>, %arg4: memref<1000000x64xf32, #tpu.memory_space<hbm>>, %arg5: memref<128xi32, #tpu.memory_space<vmem>>, %arg6: memref<64xf32, #tpu.memory_space<vmem>>, %arg7: memref<!tpu.dma_semaphore, #tpu.memory_space<semaphore_mem>>) attributes {dimension_semantics = [#tpu.dimension_semantics<core_parallel>, #tpu.dimension_semantics<subcore_parallel>], iteration_bounds = array<i64: 2, 16>, scalar_prefetch = 0 : i64, scratch_operands = 3 : i64, tpu.core_type = #tpu.core_type<sc_vector_subcore>, window_params = [{transform_indices = #map}, {transform_indices = #map1}, {transform_indices = #map}]} {
    %mul3A = arith.constant 2 : i32
    %mul3A_0 = arith.muli %arg1, %mul3A : i32
    %add3A = arith.addi %mul3A_0, %arg0 : i32
    %mul3A_1 = arith.constant 128 : i32
    %mul3A_2 = arith.muli %add3A, %mul3A_1 : i32
    "tpu.region"() ({
      %run_scoped3A = tpu.sem_alloc : memref<!tpu.dma_semaphore, #tpu.memory_space<semaphore_mem>>
      %dma_start3A = tpu.memref_slice %arg3[%mul3A_2] : memref<4096xi32, #tpu.memory_space<hbm>> -> memref<128xi32, #tpu.memory_space<hbm>>
      %dma_start3A_20 = tpu.memref_slice %arg3[%mul3A_2] : memref<4096xi32, #tpu.memory_space<hbm>> -> memref<128xi32, #tpu.memory_space<hbm>>
      tpu.enqueue_dma source(%dma_start3A_20 : memref<128xi32, #tpu.memory_space<hbm>>) target(%arg5 : memref<128xi32, #tpu.memory_space<vmem>>) target_semaphore(%run_scoped3A : memref<!tpu.dma_semaphore, #tpu.memory_space<semaphore_mem>>)
      %dma_wait3A = tpu.memref_slice %arg3[%mul3A_2] : memref<4096xi32, #tpu.memory_space<hbm>> -> memref<128xi32, #tpu.memory_space<hbm>>
      %dma_wait3A_21 = tpu.memref_slice %arg3[%mul3A_2] : memref<4096xi32, #tpu.memory_space<hbm>> -> memref<128xi32, #tpu.memory_space<hbm>>
      tpu.wait_dma2 semaphore(%run_scoped3A : memref<!tpu.dma_semaphore, #tpu.memory_space<semaphore_mem>>) src(%dma_wait3A_21 : memref<128xi32, #tpu.memory_space<hbm>>) dst(%arg5 : memref<128xi32, #tpu.memory_space<vmem>>)
      tpu.yield
    }) : () -> ()
    %broadcast_in_dim3A = arith.constant -1.000000e+00 : f32
    %broadcast_in_dim3A_3 = vector.broadcast %broadcast_in_dim3A : f32 to vector<16xf32>
    %swap3A = arith.constant 0 : index
    %swap3A_4 = tpu.vector_load %arg6[%swap3A] {strides = array<i32>} : memref<64xf32, #tpu.memory_space<vmem>>, vector<16xf32>,
    tpu.vector_store %arg6[%swap3A], %broadcast_in_dim3A_3 {strides = array<i32>} : memref<64xf32, #tpu.memory_space<vmem>>, vector<16xf32>,
    %swap3A_5 = arith.constant 16 : index
    %swap3A_6 = tpu.vector_load %arg6[%swap3A_5] {strides = array<i32>} : memref<64xf32, #tpu.memory_space<vmem>>, vector<16xf32>,
    tpu.vector_store %arg6[%swap3A_5], %broadcast_in_dim3A_3 {strides = array<i32>} : memref<64xf32, #tpu.memory_space<vmem>>, vector<16xf32>,
    %swap3A_7 = arith.constant 32 : index
    %swap3A_8 = tpu.vector_load %arg6[%swap3A_7] {strides = array<i32>} : memref<64xf32, #tpu.memory_space<vmem>>, vector<16xf32>,
    tpu.vector_store %arg6[%swap3A_7], %broadcast_in_dim3A_3 {strides = array<i32>} : memref<64xf32, #tpu.memory_space<vmem>>, vector<16xf32>,
    %swap3A_9 = arith.constant 48 : index
    %swap3A_10 = tpu.vector_load %arg6[%swap3A_9] {strides = array<i32>} : memref<64xf32, #tpu.memory_space<vmem>>, vector<16xf32>,
    tpu.vector_store %arg6[%swap3A_9], %broadcast_in_dim3A_3 {strides = array<i32>} : memref<64xf32, #tpu.memory_space<vmem>>, vector<16xf32>,
    %scan3A = arith.constant 0 : i32
    %scan3A_11 = arith.constant 8 : i32
    %scan3A_12 = arith.addi %scan3A, %scan3A_11 : i32
    %scan3A_13 = arith.constant 1 : i32
    scf.for %scan3A_20 = %scan3A to %scan3A_12 step %scan3A_13  : i32 {
      %mul3A_21 = arith.constant 1 : i32
      %mul3A_22 = arith.muli %scan3A_20, %mul3A_21 : i32
      %add3A_23 = arith.constant 0 : i32
      %add3A_24 = arith.addi %add3A_23, %mul3A_22 : i32
      %mul3A_25 = arith.constant 16 : i32
      %mul3A_26 = arith.muli %add3A_24, %mul3A_25 : i32
      %get3A = arith.index_cast %mul3A_26 : i32 to index
      %get3A_27 = tpu.vector_load %arg5[%get3A] {strides = array<i32>} : memref<128xi32, #tpu.memory_space<vmem>>, vector<16xi32>,
      %broadcast_in_dim3A_28 = arith.constant 0 : i32
      %broadcast_in_dim3A_29 = vector.broadcast %broadcast_in_dim3A_28 : i32 to vector<16xi32>
      %reshape3A = vector.shape_cast %broadcast_in_dim3A_29 : vector<16xi32> to vector<16x1xi32>
      %gather3A = vector.shape_cast %reshape3A : vector<16x1xi32> to vector<16xi32>
      %gather3A_30 = tpu.dynamic_gather %get3A_27[%gather3A] in [0] : vector<16xi32>, vector<16xi32> -> vector<16xi32>
      %reduce_max3A = arith.constant true
      %reduce_max3A_31 = vector.broadcast %reduce_max3A : i1 to vector<16xi1>
      %reduce_max3A_32 = arith.constant -2147483648 : i32
      %reduce_max3A_33 = vector.broadcast %reduce_max3A_32 : i32 to vector<16xi32>
      %reduce_max3A_34 = arith.xori %gather3A_30, %reduce_max3A_33 : vector<16xi32>
      %reduce_max3A_35 = tpu.scan <max>, %reduce_max3A_34 masked %reduce_max3A_31 : vector<16xi32>, vector<16xi1> -> vector<16xi32>
      %reduce_max3A_36 = arith.xori %reduce_max3A_35, %reduce_max3A_33 : vector<16xi32>
      %reduce_max3A_37 = vector.extract %reduce_max3A_36[15] : i32 from vector<16xi32>
      %dma_start3A = arith.constant 0 : i32
      %dma_start3A_38 = tpu.memref_slice %arg2[%reduce_max3A_37, %dma_start3A] : memref<1000000x64xf32, #tpu.memory_space<hbm>> -> memref<1x64xf32, #tpu.memory_space<hbm>>
      %dma_start3A_39 = tpu.memref_squeeze %dma_start3A_38 : memref<1x64xf32, #tpu.memory_space<hbm>> -> memref<64xf32, #tpu.memory_space<hbm>>
      %dma_start3A_40 = arith.constant 0 : i32
      %dma_start3A_41 = tpu.memref_slice %arg2[%reduce_max3A_37, %dma_start3A_40] : memref<1000000x64xf32, #tpu.memory_space<hbm>> -> memref<1x64xf32, #tpu.memory_space<hbm>>
      %dma_start3A_42 = tpu.memref_squeeze %dma_start3A_41 : memref<1x64xf32, #tpu.memory_space<hbm>> -> memref<64xf32, #tpu.memory_space<hbm>>
      tpu.enqueue_dma source(%arg6 : memref<64xf32, #tpu.memory_space<vmem>>) target(%dma_start3A_42 : memref<64xf32, #tpu.memory_space<hbm>>) target_semaphore(%arg7 : memref<!tpu.dma_semaphore, #tpu.memory_space<semaphore_mem>>)
      %broadcast_in_dim3A_43 = arith.constant 1 : i32
      %broadcast_in_dim3A_44 = vector.broadcast %broadcast_in_dim3A_43 : i32 to vector<16xi32>
      %reshape3A_45 = vector.shape_cast %broadcast_in_dim3A_44 : vector<16xi32> to vector<16x1xi32>
      %gather3A_46 = vector.shape_cast %reshape3A_45 : vector<16x1xi32> to vector<16xi32>
      %gather3A_47 = tpu.dynamic_gather %get3A_27[%gather3A_46] in [0] : vector<16xi32>, vector<16xi32> -> vector<16xi32>
      %reduce_max3A_48 = arith.constant true
      %reduce_max3A_49 = vector.broadcast %reduce_max3A_48 : i1 to vector<16xi1>
      %reduce_max3A_50 = arith.constant -2147483648 : i32
      %reduce_max3A_51 = vector.broadcast %reduce_max3A_50 : i32 to vector<16xi32>
      %reduce_max3A_52 = arith.xori %gather3A_47, %reduce_max3A_51 : vector<16xi32>
      %reduce_max3A_53 = tpu.scan <max>, %reduce_max3A_52 masked %reduce_max3A_49 : vector<16xi32>, vector<16xi1> -> vector<16xi32>
      %reduce_max3A_54 = arith.xori %reduce_max3A_53, %reduce_max3A_51 : vector<16xi32>
      %reduce_max3A_55 = vector.extract %reduce_max3A_54[15] : i32 from vector<16xi32>
      %dma_start3A_56 = arith.constant 0 : i32
      %dma_start3A_57 = tpu.memref_slice %arg2[%reduce_max3A_55, %dma_start3A_56] : memref<1000000x64xf32, #tpu.memory_space<hbm>> -> memref<1x64xf32, #tpu.memory_space<hbm>>
      %dma_start3A_58 = tpu.memref_squeeze %dma_start3A_57 : memref<1x64xf32, #tpu.memory_space<hbm>> -> memref<64xf32, #tpu.memory_space<hbm>>
      %dma_start3A_59 = arith.constant 0 : i32
      %dma_start3A_60 = tpu.memref_slice %arg2[%reduce_max3A_55, %dma_start3A_59] : memref<1000000x64xf32, #tpu.memory_space<hbm>> -> memref<1x64xf32, #tpu.memory_space<hbm>>
      %dma_start3A_61 = tpu.memref_squeeze %dma_start3A_60 : memref<1x64xf32, #tpu.memory_space<hbm>> -> memref<64xf32, #tpu.memory_space<hbm>>
      tpu.enqueue_dma source(%arg6 : memref<64xf32, #tpu.memory_space<vmem>>) target(%dma_start3A_61 : memref<64xf32, #tpu.memory_space<hbm>>) target_semaphore(%arg7 : memref<!tpu.dma_semaphore, #tpu.memory_space<semaphore_mem>>)
      %broadcast_in_dim3A_62 = arith.constant 2 : i32
      %broadcast_in_dim3A_63 = vector.broadcast %broadcast_in_dim3A_62 : i32 to vector<16xi32>
      %reshape3A_64 = vector.shape_cast %broadcast_in_dim3A_63 : vector<16xi32> to vector<16x1xi32>
      %gather3A_65 = vector.shape_cast %reshape3A_64 : vector<16x1xi32> to vector<16xi32>
      %gather3A_66 = tpu.dynamic_gather %get3A_27[%gather3A_65] in [0] : vector<16xi32>, vector<16xi32> -> vector<16xi32>
      %reduce_max3A_67 = arith.constant true
      %reduce_max3A_68 = vector.broadcast %reduce_max3A_67 : i1 to vector<16xi1>
      %reduce_max3A_69 = arith.constant -2147483648 : i32
      %reduce_max3A_70 = vector.broadcast %reduce_max3A_69 : i32 to vector<16xi32>
      %reduce_max3A_71 = arith.xori %gather3A_66, %reduce_max3A_70 : vector<16xi32>
      %reduce_max3A_72 = tpu.scan <max>, %reduce_max3A_71 masked %reduce_max3A_68 : vector<16xi32>, vector<16xi1> -> vector<16xi32>
      %reduce_max3A_73 = arith.xori %reduce_max3A_72, %reduce_max3A_70 : vector<16xi32>
      %reduce_max3A_74 = vector.extract %reduce_max3A_73[15] : i32 from vector<16xi32>
      %dma_start3A_75 = arith.constant 0 : i32
      %dma_start3A_76 = tpu.memref_slice %arg2[%reduce_max3A_74, %dma_start3A_75] : memref<1000000x64xf32, #tpu.memory_space<hbm>> -> memref<1x64xf32, #tpu.memory_space<hbm>>
      %dma_start3A_77 = tpu.memref_squeeze %dma_start3A_76 : memref<1x64xf32, #tpu.memory_space<hbm>> -> memref<64xf32, #tpu.memory_space<hbm>>
      %dma_start3A_78 = arith.constant 0 : i32
      %dma_start3A_79 = tpu.memref_slice %arg2[%reduce_max3A_74, %dma_start3A_78] : memref<1000000x64xf32, #tpu.memory_space<hbm>> -> memref<1x64xf32, #tpu.memory_space<hbm>>
      %dma_start3A_80 = tpu.memref_squeeze %dma_start3A_79 : memref<1x64xf32, #tpu.memory_space<hbm>> -> memref<64xf32, #tpu.memory_space<hbm>>
      tpu.enqueue_dma source(%arg6 : memref<64xf32, #tpu.memory_space<vmem>>) target(%dma_start3A_80 : memref<64xf32, #tpu.memory_space<hbm>>) target_semaphore(%arg7 : memref<!tpu.dma_semaphore, #tpu.memory_space<semaphore_mem>>)
      %broadcast_in_dim3A_81 = arith.constant 3 : i32
      %broadcast_in_dim3A_82 = vector.broadcast %broadcast_in_dim3A_81 : i32 to vector<16xi32>
      %reshape3A_83 = vector.shape_cast %broadcast_in_dim3A_82 : vector<16xi32> to vector<16x1xi32>
      %gather3A_84 = vector.shape_cast %reshape3A_83 : vector<16x1xi32> to vector<16xi32>
      %gather3A_85 = tpu.dynamic_gather %get3A_27[%gather3A_84] in [0] : vector<16xi32>, vector<16xi32> -> vector<16xi32>
      %reduce_max3A_86 = arith.constant true
      %reduce_max3A_87 = vector.broadcast %reduce_max3A_86 : i1 to vector<16xi1>
      %reduce_max3A_88 = arith.constant -2147483648 : i32
      %reduce_max3A_89 = vector.broadcast %reduce_max3A_88 : i32 to vector<16xi32>
      %reduce_max3A_90 = arith.xori %gather3A_85, %reduce_max3A_89 : vector<16xi32>
      %reduce_max3A_91 = tpu.scan <max>, %reduce_max3A_90 masked %reduce_max3A_87 : vector<16xi32>, vector<16xi1> -> vector<16xi32>
      %reduce_max3A_92 = arith.xori %reduce_max3A_91, %reduce_max3A_89 : vector<16xi32>
      %reduce_max3A_93 = vector.extract %reduce_max3A_92[15] : i32 from vector<16xi32>
      %dma_start3A_94 = arith.constant 0 : i32
      %dma_start3A_95 = tpu.memref_slice %arg2[%reduce_max3A_93, %dma_start3A_94] : memref<1000000x64xf32, #tpu.memory_space<hbm>> -> memref<1x64xf32, #tpu.memory_space<hbm>>
      %dma_start3A_96 = tpu.memref_squeeze %dma_start3A_95 : memref<1x64xf32, #tpu.memory_space<hbm>> -> memref<64xf32, #tpu.memory_space<hbm>>
      %dma_start3A_97 = arith.constant 0 : i32
      %dma_start3A_98 = tpu.memref_slice %arg2[%reduce_max3A_93, %dma_start3A_97] : memref<1000000x64xf32, #tpu.memory_space<hbm>> -> memref<1x64xf32, #tpu.memory_space<hbm>>
      %dma_start3A_99 = tpu.memref_squeeze %dma_start3A_98 : memref<1x64xf32, #tpu.memory_space<hbm>> -> memref<64xf32, #tpu.memory_space<hbm>>
      tpu.enqueue_dma source(%arg6 : memref<64xf32, #tpu.memory_space<vmem>>) target(%dma_start3A_99 : memref<64xf32, #tpu.memory_space<hbm>>) target_semaphore(%arg7 : memref<!tpu.dma_semaphore, #tpu.memory_space<semaphore_mem>>)
      %broadcast_in_dim3A_100 = arith.constant 4 : i32
      %broadcast_in_dim3A_101 = vector.broadcast %broadcast_in_dim3A_100 : i32 to vector<16xi32>
      %reshape3A_102 = vector.shape_cast %broadcast_in_dim3A_101 : vector<16xi32> to vector<16x1xi32>
      %gather3A_103 = vector.shape_cast %reshape3A_102 : vector<16x1xi32> to vector<16xi32>
      %gather3A_104 = tpu.dynamic_gather %get3A_27[%gather3A_103] in [0] : vector<16xi32>, vector<16xi32> -> vector<16xi32>
      %reduce_max3A_105 = arith.constant true
      %reduce_max3A_106 = vector.broadcast %reduce_max3A_105 : i1 to vector<16xi1>
      %reduce_max3A_107 = arith.constant -2147483648 : i32
      %reduce_max3A_108 = vector.broadcast %reduce_max3A_107 : i32 to vector<16xi32>
      %reduce_max3A_109 = arith.xori %gather3A_104, %reduce_max3A_108 : vector<16xi32>
      %reduce_max3A_110 = tpu.scan <max>, %reduce_max3A_109 masked %reduce_max3A_106 : vector<16xi32>, vector<16xi1> -> vector<16xi32>
      %reduce_max3A_111 = arith.xori %reduce_max3A_110, %reduce_max3A_108 : vector<16xi32>
      %reduce_max3A_112 = vector.extract %reduce_max3A_111[15] : i32 from vector<16xi32>
      %dma_start3A_113 = arith.constant 0 : i32
      %dma_start3A_114 = tpu.memref_slice %arg2[%reduce_max3A_112, %dma_start3A_113] : memref<1000000x64xf32, #tpu.memory_space<hbm>> -> memref<1x64xf32, #tpu.memory_space<hbm>>
      %dma_start3A_115 = tpu.memref_squeeze %dma_start3A_114 : memref<1x64xf32, #tpu.memory_space<hbm>> -> memref<64xf32, #tpu.memory_space<hbm>>
      %dma_start3A_116 = arith.constant 0 : i32
      %dma_start3A_117 = tpu.memref_slice %arg2[%reduce_max3A_112, %dma_start3A_116] : memref<1000000x64xf32, #tpu.memory_space<hbm>> -> memref<1x64xf32, #tpu.memory_space<hbm>>
      %dma_start3A_118 = tpu.memref_squeeze %dma_start3A_117 : memref<1x64xf32, #tpu.memory_space<hbm>> -> memref<64xf32, #tpu.memory_space<hbm>>
      tpu.enqueue_dma source(%arg6 : memref<64xf32, #tpu.memory_space<vmem>>) target(%dma_start3A_118 : memref<64xf32, #tpu.memory_space<hbm>>) target_semaphore(%arg7 : memref<!tpu.dma_semaphore, #tpu.memory_space<semaphore_mem>>)
      %broadcast_in_dim3A_119 = arith.constant 5 : i32
      %broadcast_in_dim3A_120 = vector.broadcast %broadcast_in_dim3A_119 : i32 to vector<16xi32>
      %reshape3A_121 = vector.shape_cast %broadcast_in_dim3A_120 : vector<16xi32> to vector<16x1xi32>
      %gather3A_122 = vector.shape_cast %reshape3A_121 : vector<16x1xi32> to vector<16xi32>
      %gather3A_123 = tpu.dynamic_gather %get3A_27[%gather3A_122] in [0] : vector<16xi32>, vector<16xi32> -> vector<16xi32>
      %reduce_max3A_124 = arith.constant true
      %reduce_max3A_125 = vector.broadcast %reduce_max3A_124 : i1 to vector<16xi1>
      %reduce_max3A_126 = arith.constant -2147483648 : i32
      %reduce_max3A_127 = vector.broadcast %reduce_max3A_126 : i32 to vector<16xi32>
      %reduce_max3A_128 = arith.xori %gather3A_123, %reduce_max3A_127 : vector<16xi32>
      %reduce_max3A_129 = tpu.scan <max>, %reduce_max3A_128 masked %reduce_max3A_125 : vector<16xi32>, vector<16xi1> -> vector<16xi32>
      %reduce_max3A_130 = arith.xori %reduce_max3A_129, %reduce_max3A_127 : vector<16xi32>
      %reduce_max3A_131 = vector.extract %reduce_max3A_130[15] : i32 from vector<16xi32>
      %dma_start3A_132 = arith.constant 0 : i32
      %dma_start3A_133 = tpu.memref_slice %arg2[%reduce_max3A_131, %dma_start3A_132] : memref<1000000x64xf32, #tpu.memory_space<hbm>> -> memref<1x64xf32, #tpu.memory_space<hbm>>
      %dma_start3A_134 = tpu.memref_squeeze %dma_start3A_133 : memref<1x64xf32, #tpu.memory_space<hbm>> -> memref<64xf32, #tpu.memory_space<hbm>>
      %dma_start3A_135 = arith.constant 0 : i32
      %dma_start3A_136 = tpu.memref_slice %arg2[%reduce_max3A_131, %dma_start3A_135] : memref<1000000x64xf32, #tpu.memory_space<hbm>> -> memref<1x64xf32, #tpu.memory_space<hbm>>
      %dma_start3A_137 = tpu.memref_squeeze %dma_start3A_136 : memref<1x64xf32, #tpu.memory_space<hbm>> -> memref<64xf32, #tpu.memory_space<hbm>>
      tpu.enqueue_dma source(%arg6 : memref<64xf32, #tpu.memory_space<vmem>>) target(%dma_start3A_137 : memref<64xf32, #tpu.memory_space<hbm>>) target_semaphore(%arg7 : memref<!tpu.dma_semaphore, #tpu.memory_space<semaphore_mem>>)
      %broadcast_in_dim3A_138 = arith.constant 6 : i32
      %broadcast_in_dim3A_139 = vector.broadcast %broadcast_in_dim3A_138 : i32 to vector<16xi32>
      %reshape3A_140 = vector.shape_cast %broadcast_in_dim3A_139 : vector<16xi32> to vector<16x1xi32>
      %gather3A_141 = vector.shape_cast %reshape3A_140 : vector<16x1xi32> to vector<16xi32>
      %gather3A_142 = tpu.dynamic_gather %get3A_27[%gather3A_141] in [0] : vector<16xi32>, vector<16xi32> -> vector<16xi32>
      %reduce_max3A_143 = arith.constant true
      %reduce_max3A_144 = vector.broadcast %reduce_max3A_143 : i1 to vector<16xi1>
      %reduce_max3A_145 = arith.constant -2147483648 : i32
      %reduce_max3A_146 = vector.broadcast %reduce_max3A_145 : i32 to vector<16xi32>
      %reduce_max3A_147 = arith.xori %gather3A_142, %reduce_max3A_146 : vector<16xi32>
      %reduce_max3A_148 = tpu.scan <max>, %reduce_max3A_147 masked %reduce_max3A_144 : vector<16xi32>, vector<16xi1> -> vector<16xi32>
      %reduce_max3A_149 = arith.xori %reduce_max3A_148, %reduce_max3A_146 : vector<16xi32>
      %reduce_max3A_150 = vector.extract %reduce_max3A_149[15] : i32 from vector<16xi32>
      %dma_start3A_151 = arith.constant 0 : i32
      %dma_start3A_152 = tpu.memref_slice %arg2[%reduce_max3A_150, %dma_start3A_151] : memref<1000000x64xf32, #tpu.memory_space<hbm>> -> memref<1x64xf32, #tpu.memory_space<hbm>>
      %dma_start3A_153 = tpu.memref_squeeze %dma_start3A_152 : memref<1x64xf32, #tpu.memory_space<hbm>> -> memref<64xf32, #tpu.memory_space<hbm>>
      %dma_start3A_154 = arith.constant 0 : i32
      %dma_start3A_155 = tpu.memref_slice %arg2[%reduce_max3A_150, %dma_start3A_154] : memref<1000000x64xf32, #tpu.memory_space<hbm>> -> memref<1x64xf32, #tpu.memory_space<hbm>>
      %dma_start3A_156 = tpu.memref_squeeze %dma_start3A_155 : memref<1x64xf32, #tpu.memory_space<hbm>> -> memref<64xf32, #tpu.memory_space<hbm>>
      tpu.enqueue_dma source(%arg6 : memref<64xf32, #tpu.memory_space<vmem>>) target(%dma_start3A_156 : memref<64xf32, #tpu.memory_space<hbm>>) target_semaphore(%arg7 : memref<!tpu.dma_semaphore, #tpu.memory_space<semaphore_mem>>)
      %broadcast_in_dim3A_157 = arith.constant 7 : i32
      %broadcast_in_dim3A_158 = vector.broadcast %broadcast_in_dim3A_157 : i32 to vector<16xi32>
      %reshape3A_159 = vector.shape_cast %broadcast_in_dim3A_158 : vector<16xi32> to vector<16x1xi32>
      %gather3A_160 = vector.shape_cast %reshape3A_159 : vector<16x1xi32> to vector<16xi32>
      %gather3A_161 = tpu.dynamic_gather %get3A_27[%gather3A_160] in [0] : vector<16xi32>, vector<16xi32> -> vector<16xi32>
      %reduce_max3A_162 = arith.constant true
      %reduce_max3A_163 = vector.broadcast %reduce_max3A_162 : i1 to vector<16xi1>
      %reduce_max3A_164 = arith.constant -2147483648 : i32
      %reduce_max3A_165 = vector.broadcast %reduce_max3A_164 : i32 to vector<16xi32>
      %reduce_max3A_166 = arith.xori %gather3A_161, %reduce_max3A_165 : vector<16xi32>
      %reduce_max3A_167 = tpu.scan <max>, %reduce_max3A_166 masked %reduce_max3A_163 : vector<16xi32>, vector<16xi1> -> vector<16xi32>
      %reduce_max3A_168 = arith.xori %reduce_max3A_167, %reduce_max3A_165 : vector<16xi32>
      %reduce_max3A_169 = vector.extract %reduce_max3A_168[15] : i32 from vector<16xi32>
      %dma_start3A_170 = arith.constant 0 : i32
      %dma_start3A_171 = tpu.memref_slice %arg2[%reduce_max3A_169, %dma_start3A_170] : memref<1000000x64xf32, #tpu.memory_space<hbm>> -> memref<1x64xf32, #tpu.memory_space<hbm>>
      %dma_start3A_172 = tpu.memref_squeeze %dma_start3A_171 : memref<1x64xf32, #tpu.memory_space<hbm>> -> memref<64xf32, #tpu.memory_space<hbm>>
      %dma_start3A_173 = arith.constant 0 : i32
      %dma_start3A_174 = tpu.memref_slice %arg2[%reduce_max3A_169, %dma_start3A_173] : memref<1000000x64xf32, #tpu.memory_space<hbm>> -> memref<1x64xf32, #tpu.memory_space<hbm>>
      %dma_start3A_175 = tpu.memref_squeeze %dma_start3A_174 : memref<1x64xf32, #tpu.memory_space<hbm>> -> memref<64xf32, #tpu.memory_space<hbm>>
      tpu.enqueue_dma source(%arg6 : memref<64xf32, #tpu.memory_space<vmem>>) target(%dma_start3A_175 : memref<64xf32, #tpu.memory_space<hbm>>) target_semaphore(%arg7 : memref<!tpu.dma_semaphore, #tpu.memory_space<semaphore_mem>>)
      %broadcast_in_dim3A_176 = arith.constant 8 : i32
      %broadcast_in_dim3A_177 = vector.broadcast %broadcast_in_dim3A_176 : i32 to vector<16xi32>
      %reshape3A_178 = vector.shape_cast %broadcast_in_dim3A_177 : vector<16xi32> to vector<16x1xi32>
      %gather3A_179 = vector.shape_cast %reshape3A_178 : vector<16x1xi32> to vector<16xi32>
      %gather3A_180 = tpu.dynamic_gather %get3A_27[%gather3A_179] in [0] : vector<16xi32>, vector<16xi32> -> vector<16xi32>
      %reduce_max3A_181 = arith.constant true
      %reduce_max3A_182 = vector.broadcast %reduce_max3A_181 : i1 to vector<16xi1>
      %reduce_max3A_183 = arith.constant -2147483648 : i32
      %reduce_max3A_184 = vector.broadcast %reduce_max3A_183 : i32 to vector<16xi32>
      %reduce_max3A_185 = arith.xori %gather3A_180, %reduce_max3A_184 : vector<16xi32>
      %reduce_max3A_186 = tpu.scan <max>, %reduce_max3A_185 masked %reduce_max3A_182 : vector<16xi32>, vector<16xi1> -> vector<16xi32>
      %reduce_max3A_187 = arith.xori %reduce_max3A_186, %reduce_max3A_184 : vector<16xi32>
      %reduce_max3A_188 = vector.extract %reduce_max3A_187[15] : i32 from vector<16xi32>
      %dma_start3A_189 = arith.constant 0 : i32
      %dma_start3A_190 = tpu.memref_slice %arg2[%reduce_max3A_188, %dma_start3A_189] : memref<1000000x64xf32, #tpu.memory_space<hbm>> -> memref<1x64xf32, #tpu.memory_space<hbm>>
      %dma_start3A_191 = tpu.memref_squeeze %dma_start3A_190 : memref<1x64xf32, #tpu.memory_space<hbm>> -> memref<64xf32, #tpu.memory_space<hbm>>
      %dma_start3A_192 = arith.constant 0 : i32
      %dma_start3A_193 = tpu.memref_slice %arg2[%reduce_max3A_188, %dma_start3A_192] : memref<1000000x64xf32, #tpu.memory_space<hbm>> -> memref<1x64xf32, #tpu.memory_space<hbm>>
      %dma_start3A_194 = tpu.memref_squeeze %dma_start3A_193 : memref<1x64xf32, #tpu.memory_space<hbm>> -> memref<64xf32, #tpu.memory_space<hbm>>
      tpu.enqueue_dma source(%arg6 : memref<64xf32, #tpu.memory_space<vmem>>) target(%dma_start3A_194 : memref<64xf32, #tpu.memory_space<hbm>>) target_semaphore(%arg7 : memref<!tpu.dma_semaphore, #tpu.memory_space<semaphore_mem>>)
      %broadcast_in_dim3A_195 = arith.constant 9 : i32
      %broadcast_in_dim3A_196 = vector.broadcast %broadcast_in_dim3A_195 : i32 to vector<16xi32>
      %reshape3A_197 = vector.shape_cast %broadcast_in_dim3A_196 : vector<16xi32> to vector<16x1xi32>
      %gather3A_198 = vector.shape_cast %reshape3A_197 : vector<16x1xi32> to vector<16xi32>
      %gather3A_199 = tpu.dynamic_gather %get3A_27[%gather3A_198] in [0] : vector<16xi32>, vector<16xi32> -> vector<16xi32>
      %reduce_max3A_200 = arith.constant true
      %reduce_max3A_201 = vector.broadcast %reduce_max3A_200 : i1 to vector<16xi1>
      %reduce_max3A_202 = arith.constant -2147483648 : i32
      %reduce_max3A_203 = vector.broadcast %reduce_max3A_202 : i32 to vector<16xi32>
      %reduce_max3A_204 = arith.xori %gather3A_199, %reduce_max3A_203 : vector<16xi32>
      %reduce_max3A_205 = tpu.scan <max>, %reduce_max3A_204 masked %reduce_max3A_201 : vector<16xi32>, vector<16xi1> -> vector<16xi32>
      %reduce_max3A_206 = arith.xori %reduce_max3A_205, %reduce_max3A_203 : vector<16xi32>
      %reduce_max3A_207 = vector.extract %reduce_max3A_206[15] : i32 from vector<16xi32>
      %dma_start3A_208 = arith.constant 0 : i32
      %dma_start3A_209 = tpu.memref_slice %arg2[%reduce_max3A_207, %dma_start3A_208] : memref<1000000x64xf32, #tpu.memory_space<hbm>> -> memref<1x64xf32, #tpu.memory_space<hbm>>
      %dma_start3A_210 = tpu.memref_squeeze %dma_start3A_209 : memref<1x64xf32, #tpu.memory_space<hbm>> -> memref<64xf32, #tpu.memory_space<hbm>>
      %dma_start3A_211 = arith.constant 0 : i32
      %dma_start3A_212 = tpu.memref_slice %arg2[%reduce_max3A_207, %dma_start3A_211] : memref<1000000x64xf32, #tpu.memory_space<hbm>> -> memref<1x64xf32, #tpu.memory_space<hbm>>
      %dma_start3A_213 = tpu.memref_squeeze %dma_start3A_212 : memref<1x64xf32, #tpu.memory_space<hbm>> -> memref<64xf32, #tpu.memory_space<hbm>>
      tpu.enqueue_dma source(%arg6 : memref<64xf32, #tpu.memory_space<vmem>>) target(%dma_start3A_213 : memref<64xf32, #tpu.memory_space<hbm>>) target_semaphore(%arg7 : memref<!tpu.dma_semaphore, #tpu.memory_space<semaphore_mem>>)
      %broadcast_in_dim3A_214 = arith.constant 10 : i32
      %broadcast_in_dim3A_215 = vector.broadcast %broadcast_in_dim3A_214 : i32 to vector<16xi32>
      %reshape3A_216 = vector.shape_cast %broadcast_in_dim3A_215 : vector<16xi32> to vector<16x1xi32>
      %gather3A_217 = vector.shape_cast %reshape3A_216 : vector<16x1xi32> to vector<16xi32>
      %gather3A_218 = tpu.dynamic_gather %get3A_27[%gather3A_217] in [0] : vector<16xi32>, vector<16xi32> -> vector<16xi32>
      %reduce_max3A_219 = arith.constant true
      %reduce_max3A_220 = vector.broadcast %reduce_max3A_219 : i1 to vector<16xi1>
      %reduce_max3A_221 = arith.constant -2147483648 : i32
      %reduce_max3A_222 = vector.broadcast %reduce_max3A_221 : i32 to vector<16xi32>
      %reduce_max3A_223 = arith.xori %gather3A_218, %reduce_max3A_222 : vector<16xi32>
      %reduce_max3A_224 = tpu.scan <max>, %reduce_max3A_223 masked %reduce_max3A_220 : vector<16xi32>, vector<16xi1> -> vector<16xi32>
      %reduce_max3A_225 = arith.xori %reduce_max3A_224, %reduce_max3A_222 : vector<16xi32>
      %reduce_max3A_226 = vector.extract %reduce_max3A_225[15] : i32 from vector<16xi32>
      %dma_start3A_227 = arith.constant 0 : i32
      %dma_start3A_228 = tpu.memref_slice %arg2[%reduce_max3A_226, %dma_start3A_227] : memref<1000000x64xf32, #tpu.memory_space<hbm>> -> memref<1x64xf32, #tpu.memory_space<hbm>>
      %dma_start3A_229 = tpu.memref_squeeze %dma_start3A_228 : memref<1x64xf32, #tpu.memory_space<hbm>> -> memref<64xf32, #tpu.memory_space<hbm>>
      %dma_start3A_230 = arith.constant 0 : i32
      %dma_start3A_231 = tpu.memref_slice %arg2[%reduce_max3A_226, %dma_start3A_230] : memref<1000000x64xf32, #tpu.memory_space<hbm>> -> memref<1x64xf32, #tpu.memory_space<hbm>>
      %dma_start3A_232 = tpu.memref_squeeze %dma_start3A_231 : memref<1x64xf32, #tpu.memory_space<hbm>> -> memref<64xf32, #tpu.memory_space<hbm>>
      tpu.enqueue_dma source(%arg6 : memref<64xf32, #tpu.memory_space<vmem>>) target(%dma_start3A_232 : memref<64xf32, #tpu.memory_space<hbm>>) target_semaphore(%arg7 : memref<!tpu.dma_semaphore, #tpu.memory_space<semaphore_mem>>)
      %broadcast_in_dim3A_233 = arith.constant 11 : i32
      %broadcast_in_dim3A_234 = vector.broadcast %broadcast_in_dim3A_233 : i32 to vector<16xi32>
      %reshape3A_235 = vector.shape_cast %broadcast_in_dim3A_234 : vector<16xi32> to vector<16x1xi32>
      %gather3A_236 = vector.shape_cast %reshape3A_235 : vector<16x1xi32> to vector<16xi32>
      %gather3A_237 = tpu.dynamic_gather %get3A_27[%gather3A_236] in [0] : vector<16xi32>, vector<16xi32> -> vector<16xi32>
      %reduce_max3A_238 = arith.constant true
      %reduce_max3A_239 = vector.broadcast %reduce_max3A_238 : i1 to vector<16xi1>
      %reduce_max3A_240 = arith.constant -2147483648 : i32
      %reduce_max3A_241 = vector.broadcast %reduce_max3A_240 : i32 to vector<16xi32>
      %reduce_max3A_242 = arith.xori %gather3A_237, %reduce_max3A_241 : vector<16xi32>
      %reduce_max3A_243 = tpu.scan <max>, %reduce_max3A_242 masked %reduce_max3A_239 : vector<16xi32>, vector<16xi1> -> vector<16xi32>
      %reduce_max3A_244 = arith.xori %reduce_max3A_243, %reduce_max3A_241 : vector<16xi32>
      %reduce_max3A_245 = vector.extract %reduce_max3A_244[15] : i32 from vector<16xi32>
      %dma_start3A_246 = arith.constant 0 : i32
      %dma_start3A_247 = tpu.memref_slice %arg2[%reduce_max3A_245, %dma_start3A_246] : memref<1000000x64xf32, #tpu.memory_space<hbm>> -> memref<1x64xf32, #tpu.memory_space<hbm>>
      %dma_start3A_248 = tpu.memref_squeeze %dma_start3A_247 : memref<1x64xf32, #tpu.memory_space<hbm>> -> memref<64xf32, #tpu.memory_space<hbm>>
      %dma_start3A_249 = arith.constant 0 : i32
      %dma_start3A_250 = tpu.memref_slice %arg2[%reduce_max3A_245, %dma_start3A_249] : memref<1000000x64xf32, #tpu.memory_space<hbm>> -> memref<1x64xf32, #tpu.memory_space<hbm>>
      %dma_start3A_251 = tpu.memref_squeeze %dma_start3A_250 : memref<1x64xf32, #tpu.memory_space<hbm>> -> memref<64xf32, #tpu.memory_space<hbm>>
      tpu.enqueue_dma source(%arg6 : memref<64xf32, #tpu.memory_space<vmem>>) target(%dma_start3A_251 : memref<64xf32, #tpu.memory_space<hbm>>) target_semaphore(%arg7 : memref<!tpu.dma_semaphore, #tpu.memory_space<semaphore_mem>>)
      %broadcast_in_dim3A_252 = arith.constant 12 : i32
      %broadcast_in_dim3A_253 = vector.broadcast %broadcast_in_dim3A_252 : i32 to vector<16xi32>
      %reshape3A_254 = vector.shape_cast %broadcast_in_dim3A_253 : vector<16xi32> to vector<16x1xi32>
      %gather3A_255 = vector.shape_cast %reshape3A_254 : vector<16x1xi32> to vector<16xi32>
      %gather3A_256 = tpu.dynamic_gather %get3A_27[%gather3A_255] in [0] : vector<16xi32>, vector<16xi32> -> vector<16xi32>
      %reduce_max3A_257 = arith.constant true
      %reduce_max3A_258 = vector.broadcast %reduce_max3A_257 : i1 to vector<16xi1>
      %reduce_max3A_259 = arith.constant -2147483648 : i32
      %reduce_max3A_260 = vector.broadcast %reduce_max3A_259 : i32 to vector<16xi32>
      %reduce_max3A_261 = arith.xori %gather3A_256, %reduce_max3A_260 : vector<16xi32>
      %reduce_max3A_262 = tpu.scan <max>, %reduce_max3A_261 masked %reduce_max3A_258 : vector<16xi32>, vector<16xi1> -> vector<16xi32>
      %reduce_max3A_263 = arith.xori %reduce_max3A_262, %reduce_max3A_260 : vector<16xi32>
      %reduce_max3A_264 = vector.extract %reduce_max3A_263[15] : i32 from vector<16xi32>
      %dma_start3A_265 = arith.constant 0 : i32
      %dma_start3A_266 = tpu.memref_slice %arg2[%reduce_max3A_264, %dma_start3A_265] : memref<1000000x64xf32, #tpu.memory_space<hbm>> -> memref<1x64xf32, #tpu.memory_space<hbm>>
      %dma_start3A_267 = tpu.memref_squeeze %dma_start3A_266 : memref<1x64xf32, #tpu.memory_space<hbm>> -> memref<64xf32, #tpu.memory_space<hbm>>
      %dma_start3A_268 = arith.constant 0 : i32
      %dma_start3A_269 = tpu.memref_slice %arg2[%reduce_max3A_264, %dma_start3A_268] : memref<1000000x64xf32, #tpu.memory_space<hbm>> -> memref<1x64xf32, #tpu.memory_space<hbm>>
      %dma_start3A_270 = tpu.memref_squeeze %dma_start3A_269 : memref<1x64xf32, #tpu.memory_space<hbm>> -> memref<64xf32, #tpu.memory_space<hbm>>
      tpu.enqueue_dma source(%arg6 : memref<64xf32, #tpu.memory_space<vmem>>) target(%dma_start3A_270 : memref<64xf32, #tpu.memory_space<hbm>>) target_semaphore(%arg7 : memref<!tpu.dma_semaphore, #tpu.memory_space<semaphore_mem>>)
      %broadcast_in_dim3A_271 = arith.constant 13 : i32
      %broadcast_in_dim3A_272 = vector.broadcast %broadcast_in_dim3A_271 : i32 to vector<16xi32>
      %reshape3A_273 = vector.shape_cast %broadcast_in_dim3A_272 : vector<16xi32> to vector<16x1xi32>
      %gather3A_274 = vector.shape_cast %reshape3A_273 : vector<16x1xi32> to vector<16xi32>
      %gather3A_275 = tpu.dynamic_gather %get3A_27[%gather3A_274] in [0] : vector<16xi32>, vector<16xi32> -> vector<16xi32>
      %reduce_max3A_276 = arith.constant true
      %reduce_max3A_277 = vector.broadcast %reduce_max3A_276 : i1 to vector<16xi1>
      %reduce_max3A_278 = arith.constant -2147483648 : i32
      %reduce_max3A_279 = vector.broadcast %reduce_max3A_278 : i32 to vector<16xi32>
      %reduce_max3A_280 = arith.xori %gather3A_275, %reduce_max3A_279 : vector<16xi32>
      %reduce_max3A_281 = tpu.scan <max>, %reduce_max3A_280 masked %reduce_max3A_277 : vector<16xi32>, vector<16xi1> -> vector<16xi32>
      %reduce_max3A_282 = arith.xori %reduce_max3A_281, %reduce_max3A_279 : vector<16xi32>
      %reduce_max3A_283 = vector.extract %reduce_max3A_282[15] : i32 from vector<16xi32>
      %dma_start3A_284 = arith.constant 0 : i32
      %dma_start3A_285 = tpu.memref_slice %arg2[%reduce_max3A_283, %dma_start3A_284] : memref<1000000x64xf32, #tpu.memory_space<hbm>> -> memref<1x64xf32, #tpu.memory_space<hbm>>
      %dma_start3A_286 = tpu.memref_squeeze %dma_start3A_285 : memref<1x64xf32, #tpu.memory_space<hbm>> -> memref<64xf32, #tpu.memory_space<hbm>>
      %dma_start3A_287 = arith.constant 0 : i32
      %dma_start3A_288 = tpu.memref_slice %arg2[%reduce_max3A_283, %dma_start3A_287] : memref<1000000x64xf32, #tpu.memory_space<hbm>> -> memref<1x64xf32, #tpu.memory_space<hbm>>
      %dma_start3A_289 = tpu.memref_squeeze %dma_start3A_288 : memref<1x64xf32, #tpu.memory_space<hbm>> -> memref<64xf32, #tpu.memory_space<hbm>>
      tpu.enqueue_dma source(%arg6 : memref<64xf32, #tpu.memory_space<vmem>>) target(%dma_start3A_289 : memref<64xf32, #tpu.memory_space<hbm>>) target_semaphore(%arg7 : memref<!tpu.dma_semaphore, #tpu.memory_space<semaphore_mem>>)
      %broadcast_in_dim3A_290 = arith.constant 14 : i32
      %broadcast_in_dim3A_291 = vector.broadcast %broadcast_in_dim3A_290 : i32 to vector<16xi32>
      %reshape3A_292 = vector.shape_cast %broadcast_in_dim3A_291 : vector<16xi32> to vector<16x1xi32>
      %gather3A_293 = vector.shape_cast %reshape3A_292 : vector<16x1xi32> to vector<16xi32>
      %gather3A_294 = tpu.dynamic_gather %get3A_27[%gather3A_293] in [0] : vector<16xi32>, vector<16xi32> -> vector<16xi32>
      %reduce_max3A_295 = arith.constant true
      %reduce_max3A_296 = vector.broadcast %reduce_max3A_295 : i1 to vector<16xi1>
      %reduce_max3A_297 = arith.constant -2147483648 : i32
      %reduce_max3A_298 = vector.broadcast %reduce_max3A_297 : i32 to vector<16xi32>
      %reduce_max3A_299 = arith.xori %gather3A_294, %reduce_max3A_298 : vector<16xi32>
      %reduce_max3A_300 = tpu.scan <max>, %reduce_max3A_299 masked %reduce_max3A_296 : vector<16xi32>, vector<16xi1> -> vector<16xi32>
      %reduce_max3A_301 = arith.xori %reduce_max3A_300, %reduce_max3A_298 : vector<16xi32>
      %reduce_max3A_302 = vector.extract %reduce_max3A_301[15] : i32 from vector<16xi32>
      %dma_start3A_303 = arith.constant 0 : i32
      %dma_start3A_304 = tpu.memref_slice %arg2[%reduce_max3A_302, %dma_start3A_303] : memref<1000000x64xf32, #tpu.memory_space<hbm>> -> memref<1x64xf32, #tpu.memory_space<hbm>>
      %dma_start3A_305 = tpu.memref_squeeze %dma_start3A_304 : memref<1x64xf32, #tpu.memory_space<hbm>> -> memref<64xf32, #tpu.memory_space<hbm>>
      %dma_start3A_306 = arith.constant 0 : i32
      %dma_start3A_307 = tpu.memref_slice %arg2[%reduce_max3A_302, %dma_start3A_306] : memref<1000000x64xf32, #tpu.memory_space<hbm>> -> memref<1x64xf32, #tpu.memory_space<hbm>>
      %dma_start3A_308 = tpu.memref_squeeze %dma_start3A_307 : memref<1x64xf32, #tpu.memory_space<hbm>> -> memref<64xf32, #tpu.memory_space<hbm>>
      tpu.enqueue_dma source(%arg6 : memref<64xf32, #tpu.memory_space<vmem>>) target(%dma_start3A_308 : memref<64xf32, #tpu.memory_space<hbm>>) target_semaphore(%arg7 : memref<!tpu.dma_semaphore, #tpu.memory_space<semaphore_mem>>)
      %broadcast_in_dim3A_309 = arith.constant 15 : i32
      %broadcast_in_dim3A_310 = vector.broadcast %broadcast_in_dim3A_309 : i32 to vector<16xi32>
      %reshape3A_311 = vector.shape_cast %broadcast_in_dim3A_310 : vector<16xi32> to vector<16x1xi32>
      %gather3A_312 = vector.shape_cast %reshape3A_311 : vector<16x1xi32> to vector<16xi32>
      %gather3A_313 = tpu.dynamic_gather %get3A_27[%gather3A_312] in [0] : vector<16xi32>, vector<16xi32> -> vector<16xi32>
      %reduce_max3A_314 = arith.constant true
      %reduce_max3A_315 = vector.broadcast %reduce_max3A_314 : i1 to vector<16xi1>
      %reduce_max3A_316 = arith.constant -2147483648 : i32
      %reduce_max3A_317 = vector.broadcast %reduce_max3A_316 : i32 to vector<16xi32>
      %reduce_max3A_318 = arith.xori %gather3A_313, %reduce_max3A_317 : vector<16xi32>
      %reduce_max3A_319 = tpu.scan <max>, %reduce_max3A_318 masked %reduce_max3A_315 : vector<16xi32>, vector<16xi1> -> vector<16xi32>
      %reduce_max3A_320 = arith.xori %reduce_max3A_319, %reduce_max3A_317 : vector<16xi32>
      %reduce_max3A_321 = vector.extract %reduce_max3A_320[15] : i32 from vector<16xi32>
      %dma_start3A_322 = arith.constant 0 : i32
      %dma_start3A_323 = tpu.memref_slice %arg2[%reduce_max3A_321, %dma_start3A_322] : memref<1000000x64xf32, #tpu.memory_space<hbm>> -> memref<1x64xf32, #tpu.memory_space<hbm>>
      %dma_start3A_324 = tpu.memref_squeeze %dma_start3A_323 : memref<1x64xf32, #tpu.memory_space<hbm>> -> memref<64xf32, #tpu.memory_space<hbm>>
      %dma_start3A_325 = arith.constant 0 : i32
      %dma_start3A_326 = tpu.memref_slice %arg2[%reduce_max3A_321, %dma_start3A_325] : memref<1000000x64xf32, #tpu.memory_space<hbm>> -> memref<1x64xf32, #tpu.memory_space<hbm>>
      %dma_start3A_327 = tpu.memref_squeeze %dma_start3A_326 : memref<1x64xf32, #tpu.memory_space<hbm>> -> memref<64xf32, #tpu.memory_space<hbm>>
      tpu.enqueue_dma source(%arg6 : memref<64xf32, #tpu.memory_space<vmem>>) target(%dma_start3A_327 : memref<64xf32, #tpu.memory_space<hbm>>) target_semaphore(%arg7 : memref<!tpu.dma_semaphore, #tpu.memory_space<semaphore_mem>>)
    }
    %scan3A_14 = arith.constant 8 : i32
    %scan3A_15 = arith.constant 0 : i32
    %scan3A_16 = arith.constant 128 : i32
    %scan3A_17 = arith.addi %scan3A_15, %scan3A_16 : i32
    %scan3A_18 = arith.constant 1 : i32
    scf.for %scan3A_20 = %scan3A_15 to %scan3A_17 step %scan3A_18  : i32 {
      %mul3A_21 = arith.constant 1 : i32
      %mul3A_22 = arith.muli %scan3A_20, %mul3A_21 : i32
      %add3A_23 = arith.constant 0 : i32
      %add3A_24 = arith.addi %add3A_23, %mul3A_22 : i32
      %dma_wait3A = arith.constant 0 : i32
      %dma_wait3A_25 = arith.constant 0 : i32
      %dma_wait3A_26 = tpu.memref_slice %arg2[%dma_wait3A, %dma_wait3A_25] : memref<1000000x64xf32, #tpu.memory_space<hbm>> -> memref<1x64xf32, #tpu.memory_space<hbm>>
      %dma_wait3A_27 = tpu.memref_squeeze %dma_wait3A_26 : memref<1x64xf32, #tpu.memory_space<hbm>> -> memref<64xf32, #tpu.memory_space<hbm>>
      %dma_wait3A_28 = arith.constant 0 : i32
      %dma_wait3A_29 = tpu.memref_slice %arg2[%dma_wait3A, %dma_wait3A_28] : memref<1000000x64xf32, #tpu.memory_space<hbm>> -> memref<1x64xf32, #tpu.memory_space<hbm>>
      %dma_wait3A_30 = tpu.memref_squeeze %dma_wait3A_29 : memref<1x64xf32, #tpu.memory_space<hbm>> -> memref<64xf32, #tpu.memory_space<hbm>>
      tpu.wait_dma2 semaphore(%arg7 : memref<!tpu.dma_semaphore, #tpu.memory_space<semaphore_mem>>) src(%arg6 : memref<64xf32, #tpu.memory_space<vmem>>) dst(%dma_wait3A_30 : memref<64xf32, #tpu.memory_space<hbm>>)
    }
    %scan3A_19 = arith.constant 128 : i32
    return
  }
}

</mosaic_0001>

<sc_bundles>
// kernel: kernel.3.cloned.1.call-start
scs
__scs_entry_jumppad:
0x0: {  	(pc) =	sbr.rel $0x88, $3  }
0x1: {  	(tag) =	ssettag $0x0;
	lr =	simm.s32 $0x1  }
0x2: {  	[smem:$0x3F9F] =	sst lr;
	_ =	strace $0xD0000000  }
0x3: {  	_ = 	snop  }
0x4: {  	_ = 	snop  }
0x5: {  	_ = 	snop  }
0x6: {  	_ = 	snop  }
0x7: {  	_ = 	snop  }
__scs_overlays_trampoline_lowered:
0x8: {  	[smem:$0x3FAE] =	sst s0  }
0x9: {  	[smem:$0x3FAF] =	sst s1  }
0xa: {  	[smem:$0x3FB0] =	sst s2  }
0xb: {  	[smem:$0x3FB1] =	sst s3  }
0xc: {  	[smem:$0x3FB2] =	sst s4  }
0xd: {  	[smem:$0x3FB3] =	sst s5  }
0xe: {  	[smem:$0x3FB4] =	sst s6  }
0xf: {  	[smem:$0x3FB5] =	sst s7  }
0x10: {  	[smem:$0x3FB6] =	sst s8  }
0x11: {  	[smem:$0x3FB7] =	sst s9;
	s0 =	simm.s32 @!p0 $0x0  }
0x12: {  	s1 =	sld [smem:$0x3F9D];
	s0 =	simm.s32 @p0 $0x1  }
0x13: {  	[smem:$0x3FB8] =	sst s0;
	s0 =	simm.s32 @!p1 $0x0  }
0x14: {  	s2 =	sld [smem:$0x3F9C];
	s0 =	simm.s32 @p1 $0x1  }
0x15: {  	[smem:$0x3FB9] =	sst s0;
	s0 =	simm.s32 @!p2 $0x0  }
0x16: {  	s3 =	sld [smem:$0x3FDB];
	s0 =	simm.s32 @p2 $0x1  }
0x17: {  	s4 =	simm.s32 $0x1BF5;
	[smem:$0x3FBB] =	sst s0  }
0x18: {  	s0 =	sld [smem:$0x3F9E];
	_ =	swait.ge [sflag:s4], $0x0  }
0x19: {  	s7 =	sld [smem:$0x3F9F]  }
0x1a: {  	s8 =	sadd.s32 $0xFFFFE003, lr  }
0x1b: {  	s9 =	sadd.s32 $0xFFFFFEF7, lr;
	s5 =	simm.s32 $0xFFFFFFFF;
	p2 =	slt.u32 s8, $0xFFFFF086  }
0x1c: {  	p1 =	slt.u32 s9, $0xF7A;
	s5 =	simm.s32 @!p2 $0x0  }
0x1d: {  	s5 =	simm.s32 @p1 $0x1;
	p0 =	seq.s32 s7, s2  }
0x1e: {  	s7 =	smul.u32 @!p0 $0xF7A, s2;
	p2 =	seq.s32 @!p0 s5, $0x0  }
0x1f: {  	s9 =	smul.u32 $0xF7A, s1;
	s8 =	simm.s32 @!p0 $0x1BF5;
	p2 =	por !p2, p0  }
0x20: {  	[sflag:s8] =	ssyncset.s32 @!p0 $0xFFFFF086;
	s6 =	sadd.s32 @!p0 s3, s7;
	s7 =	simm.s32 @!p0 $0x108  }
0x21: {  	s3 =	sadd.s32 s3, s9;
	s6 =	sadd.s32 @!p0 $0x88, s6;
	s7 =	simm.s32 @p2 $0x1082  }
0x22: {  	[simem:s7], [sflag:s8] =	dma.local @!p0 [hbm:s6], $0xF7A  }
0x23: {  	s9 =	sor.u32 $0xD0000000, s2;
	s6 =	simm.s32 $0x108;
	_ =	swait.ge @!p0 [sflag:s8], $0x0  }
0x24: {  	s3 =	sadd.s32 $0x88, s3;
	s6 =	simm.s32 @!p1 $0x1082;
	[sflag:s4] =	ssyncset.s32 $0xFFFFF086  }
0x25: {  	[simem:s6], [sflag:s4] =	dma.local [hbm:s3], $0xF7A  }
0x26: {  	[smem:$0x3F9F] =	sst s1;
	(tag) =	ssettag s2;
	_ =	strace s9  }
0x27: {  	s1 =	sld [smem:$0x3FAF]  }
0x28: {  	s2 =	sld [smem:$0x3FB0]  }
0x29: {  	s4 =	sld [smem:$0x3FB2]  }
0x2a: {  	p0 =	seq.s32 s5, $0x0;
	s5 =	sld [smem:$0x3FB3]  }
0x2b: {  	s6 =	sld [smem:$0x3FB4]  }
0x2c: {  	s7 =	sld [smem:$0x3FB5]  }
0x2d: {  	s3 =	simm.s32 $0x108;
	s8 =	sld [smem:$0x3FB6]  }
0x2e: {  	s3 =	simm.s32 @!p0 $0x1082;
	s9 =	sld [smem:$0x3FB7]  }
0x2f: {  	lr =	sadd.s32 s0, s3;
	s0 =	sld [smem:$0x3FAE]  }
0x30: {  	s3 =	sld [smem:$0x3FB1]  }
0x31: {  	[smem:$0x3FBA] =	sst s10  }
0x32: {  	s10 =	sld [smem:$0x3FB8];
	_ =	sdelay $0x3  }
0x33: {  	p0 =	seq.s32 s10, $0x1;
	s10 =	sld [smem:$0x3FBA];
	_ =	sdelay $0x3  }
0x34: {  	[smem:$0x3FBA] =	sst s10  }
0x35: {  	s10 =	sld [smem:$0x3FB9];
	_ =	sdelay $0x3  }
0x36: {  	p1 =	seq.s32 s10, $0x1;
	s10 =	sld [smem:$0x3FBA];
	_ =	sdelay $0x3  }
0x37: {  	[smem:$0x3FBA] =	sst s10  }
0x38: {  	s10 =	sld [smem:$0x3FBB]  }
0x39: {  	_ = 	snop;
	(pc) =	sbr.ind lr, $3  }
0x3a: {  	_ = 	snop  }
0x3b: {  	_ = 	snop  }
0x3c: {  	p2 =	seq.s32 s10, $0x1;
	s10 =	sld [smem:$0x3FBA]  }
0x3d: {  	_ =	shalt  }
0x3e: {  	_ =	shalt  }
0x3f: {  	_ =	shalt  }
0x40: {  	_ =	shalt  }
0x41: {  	_ =	shalt  }
0x42: {  	_ =	shalt  }
0x43: {  	_ =	shalt  }
0x44: {  	_ =	shalt  }
0x45: {  	_ =	shalt  }
0x46: {  	_ =	shalt  }
0x47: {  	_ =	shalt  }
0x48: {  	_ =	shalt  }
0x49: {  	_ =	shalt  }
0x4a: {  	_ =	shalt  }
0x4b: {  	_ =	shalt  }
0x4c: {  	_ =	shalt  }
0x4d: {  	_ =	shalt  }
0x4e: {  	_ =	shalt  }
0x4f: {  	_ =	shalt  }
0x50: {  	_ =	shalt  }
0x51: {  	_ =	shalt  }
0x52: {  	_ =	shalt  }
0x53: {  	_ =	shalt  }
0x54: {  	_ =	shalt  }
0x55: {  	_ =	shalt  }
0x56: {  	_ =	shalt  }
0x57: {  	_ =	shalt  }
0x58: {  	_ =	shalt  }
0x59: {  	_ =	shalt  }
0x5a: {  	_ =	shalt  }
0x5b: {  	_ =	shalt  }
0x5c: {  	_ =	shalt  }
0x5d: {  	_ =	shalt  }
0x5e: {  	_ =	shalt  }
0x5f: {  	_ =	shalt  }
0x60: {  	_ =	shalt  }
0x61: {  	_ =	shalt  }
0x62: {  	_ =	shalt  }
0x63: {  	_ =	shalt  }
0x64: {  	_ =	shalt  }
0x65: {  	_ =	shalt  }
0x66: {  	_ =	shalt  }
0x67: {  	_ =	shalt  }
0x68: {  	_ =	shalt  }
0x69: {  	_ =	shalt  }
0x6a: {  	_ =	shalt  }
0x6b: {  	_ =	shalt  }
0x6c: {  	_ =	shalt  }
0x6d: {  	_ =	shalt  }
0x6e: {  	_ =	shalt  }
0x6f: {  	_ =	shalt  }
0x70: {  	_ =	shalt  }
0x71: {  	_ =	shalt  }
0x72: {  	_ =	shalt  }
0x73: {  	_ =	shalt  }
0x74: {  	_ =	shalt  }
0x75: {  	_ =	shalt  }
0x76: {  	_ =	shalt  }
0x77: {  	_ =	shalt  }
0x78: {  	_ =	shalt  }
0x79: {  	_ =	shalt  }
0x7a: {  	_ =	shalt  }
0x7b: {  	_ =	shalt  }
0x7c: {  	_ =	shalt  }
0x7d: {  	_ =	shalt  }
0x7e: {  	_ =	shalt  }
0x7f: {  	_ =	shalt  }
0x80: {  	_ =	shalt  }
0x81: {  	_ =	shalt  }
0x82: {  	_ =	shalt  }
0x83: {  	_ =	shalt  }
0x84: {  	_ =	shalt  }
0x85: {  	_ =	shalt  }
0x86: {  	_ =	shalt  }
0x87: {  	_ =	shalt  }
.Lfunc_end0:
.L_simem_size_0:
called_computation_lowered:
.L_overlay_start_0:
0x88: {  	s2 =	sld [smem:$0x3FD9]  }
0x89: {  	s3 =	sld [smem:$0x3FFE];
	_ =	sdelay $0x1  }
0x8a: {  	s1 =	srdreg.scid  }
0x8b: {  	s0 =	sand.u32 $0x1, s1  }
0x8c: {  	s17 =	sshll.u32 s0, $0xA;
	s2 =	sadd.s32 s3, s2  }
0x8d: {  	s2 =	sadd.s32 s2, s17  }
0x8e: {  	[smem:$0x3FC6] =	sst s2  }
0x8f: {  	_ = 	snop  }
0x90: {  	s2 =	sld [smem:$0x3FC8];
	(tm) =	ssettm $0x1  }
0x91: {  	s18 =	sld [smem:$0x3FFB];
	_ =	sdelay $0x3  }
0x92: {  	_ =	strace s18  }
0x93: {  	s3 =	sld [smem:$0x3FFC];
	_ =	sdelay $0x3  }
0x94: {  	_ =	strace s3  }
0x95: {  	s3 =	sld [smem:$0x3FFD];
	_ =	sdelay $0x3  }
0x96: {  	_ =	strace s3  }
0x97: {  	_ =	strace $0x8FFFFFFF  }
0x98: {  	s19 =	sld [smem:$0x3FDB];
	_ =	sdelay $0x1  }
0x99: {  	s4 =	simm.s32 $_scs_section_size  }
0x9a: {  	s5 =	simm.s32 $_size__tile_overlayer_lowered;
	s6 =	simm.s32 $_tile_overlayer_lowered  }
0x9b: {  	s22 =	simm.s32 $0x1BFF;
	s21 =	sshll.u32 s6, $0x1;
	s3 =	sadd.s32 s4, s19  }
0x9c: {  	s7 =	simm.s32 $0x0;
	s20 =	sshll.u32 s5, $0x1;
	s5 =	sadd.s32 s21, s3  }
0x9d: {  	[timem:s7], [sflag:s22] =	dma.local [hbm:s5], s20  }
0x9e: {  	_ =	swait.ge [sflag:s22], s20  }
0x9f: {  	s4 =	ssub.s32 $0x0, s20;
	[sflag:s22] =	ssyncset.done $0x0  }
0xa0: {  	[sflag:s22] =	ssyncadd.s32 s4;
	_ =	sdelay $0x1  }
0xa1: {  	s23 =	simm.s32 $0x1B8B  }
0xa2: {  	_ =	swait.ge [sflag:s23], $0x1  }
0xa3: {  	[sflag:s23] =	ssyncset.done $0x0  }
0xa4: {  	s25 =	simm.s32 $0x1B8E;
	s24 =	sld [smem:$0x3FFE];
	[sflag:s23] =	ssyncadd.s32 $0xFFFFFFFF  }
0xa5: {  	s26 =	simm.s32 $execute0_lowered;
	[smem:$0x3FD2] =	sst s25  }
0xa6: {  	s5 =	sshll.u32 s26, $0x1;
	_ =	strace $0x80000046;
	[dreg:$0x1] =	wrdreg $0xFFFFFFFF  }
0xa7: {  	s28 =	simm.s32 $_size_execute0_lowered;
	s3 =	sadd.s32 s3, s5;
	[dreg:$0x0] =	wrdreg $0x0  }
0xa8: {  	s5 =	sshll.u32 s28, $0x1;
	[dreg:$0x2] =	wrdreg s3  }
0xa9: {  	[dreg:$0x3] =	wrdreg s5  }
0xaa: {  	[dreg:$0x4] =	wrdreg $0xC0  }
0xab: {  	_ =	task [dreg:s7], $0x5FFFF  }
0xac: {  	[dreg:$0x1] =	wrdreg $0xFFFFFFFF  }
0xad: {  	[dreg:$0x0] =	wrdreg $0x60  }
0xae: {  	[dreg:$0x2] =	wrdreg s24  }
0xaf: {  	[dreg:$0x3] =	wrdreg s2  }
0xb0: {  	[dreg:$0x4] =	wrdreg $0x9  }
0xb1: {  	_ =	task.clear_ibuf [dreg:s7], $0x5FFFF;
	_ =	strace $0x90000046  }
0xb2: {  	s29 =	simm.s32 $0x9;
	_ =	strace $0x80000048  }
0xb3: {  	_ =	swait.ge [sflag:s29], $0x1  }
0xb4: {  	[sflag:s29] =	ssyncadd.s32 $0xFFFFFFFF  }
0xb5: {  	_ =	strace $0x90000048  }
0xb6: {  	_ =	sfence  }
0xb7: {  	s30 =	sld [smem:$0x0];
	_ =	sdelay $0x2  }
0xb8: {  	s31 =	sshll.u32 s1, $0xD;
	s1 =	sshrl.u32 s1, $0x2  }
0xb9: {  	s3 =	sand.u32 $0x4000, s31;
	s1 =	sadd.s32 s1, s30  }
0xba: {  	s0 =	sor.u32 s3, s0;
	s1 =	sshll.u32 s1, $0x11  }
0xbb: {  	s0 =	sor.u32 s1, s0  }
0xbc: {  	s0 =	sadd.s32 $0x8F2B, s0  }
0xbd: {  	[sflag:s0] =	ssyncadd.remote.s32 $0x1  }
0xbe: {  	_ =	sfence.sel $0xFFFF  }
0xbf: {  	[dreg:$0x0] =	wrdreg $0xFFFFFFFF;
	(pc) =	sbr.abs _section_cstart, $3  }
0xc0: {  	[dreg:$0x1] =	wrdreg $0xFFFFFFFF  }
0xc1: {  	_ =	task.clear_ibuf [dreg:s7], $0x2FFFF;
	_ =	strace $0x9FFFFFFF  }
0xc2: {  	(tm) =	ssettm $0x7FFFFFFF  }
0xc3: {  	_ =	shalt  }
tec
execute0_lowered:
.L_overlay_start_1:
0x0: {  	(tag) =	ssettag $0x1  }
0x1: {  	s3 =	rddreg [dreg:$0x0]  }
0x2: {  	s4 =	rddreg [dreg:$0x1]  }
0x3: {  	s0 =	rddreg [dreg:$0x2]  }
0x4: {  	s1 =	simm.s32 $0x0;
	s2 =	srdreg.scid;
	v0 =	vimm.f32 $-1.000000000e+00;
	v1 =	vimm.s32 $0x0;
	s8 =	simm.s32 $0x0  }
0x5: {  	v2 =	vimm.s32 $0x1;
	v3 =	vimm.s32 $0x2;
	v4 =	vimm.s32 $0x3;
	[smem:$0x7FF] =	sst s1;
	s5 =	sand.u32 $0x1, s2;
	s2 =	stileid.u32  }
0x6: {  	v5 =	vimm.s32 $0x4;
	v6 =	vimm.s32 $0x5;
	v7 =	vimm.s32 $0x6;
	s3 =	sadd.s32 $0x400, s3;
	s6 =	ssub.s32 $0x2, s5;
	s5 =	sshll.u32 s5, $0x4  }
0x7: {  	v8 =	vimm.s32 $0x7;
	v9 =	vimm.s32 $0x8;
	v10 =	vimm.s32 $0x9;
	s31 =	sshll.u32 s2, $0x5;
	s7 =	sshrl.u32 s6, $0x1;
	s4 =	sadd.s32 s4, s5  }
0x8: {  	v11 =	vimm.s32 $0xA;
	v12 =	vimm.s32 $0xB;
	v13 =	vimm.s32 $0xC;
	_ =	strace $0x80000047;
	s6 =	ssub.s32 s6, s7;
	s4 =	sadd.s32 s31, s4  }
0x9: {  	v14 =	vimm.s32 $0xD;
	v15 =	vimm.s32 $0xE;
	v16 =	vimm.s32 $0xF;
	s7 =	simm.s32 $0x1;
	s5 =	smax.u32 s6, $0x1;
	s6 =	simm.s32 $0x2  }
.LBB2_1:
0xa: {  	[tilespmem:s1], [sflag:$0x2] =	stream.linear.gather [hbm4b:s4+s1], $0x80, $0x38;
	[tilespmem:$0x100] =	vst v63  }
0xb: {  	_ =	swait.ge [sflag:s6], $0x80  }
0xc: {  	[sflag:s6] =	ssyncset.done $0x0  }
0xd: {  	[sflag:s6] =	ssyncadd.s32 $0xFFFFFF80  }
0xe: {  	[tilespmem:$0x80] =	vst v0  }
0xf: {  	[tilespmem:$0x90] =	vst v0  }
0x10: {  	[tilespmem:$0xA0] =	vst v0  }
0x11: {  	s9 =	simm.s32 $0x0;
	[tilespmem:$0xB0] =	vst v0  }
0x12: {  	v17 =	vld [tilespmem:s9+$0x0];
	_ =	sdelay $0x4  }
0x13: {  	v18 =	vperm.xlane v17, v1  }
0x14: {  	v19 =	vperm.xlane v17, v2  }
0x15: {  	v20 =	vperm.xlane v17, v3;
	v18 =	vxor.u32 $0x80000000, v18  }
0x16: {  	v19 =	vxor.u32 $0x80000000, v19;
	(xrf0) =	vmax.scan.msk.u32 $0xffff, v18  }
0x17: {  	v18 =	vxor.u32 $0x80000000, v20;
	(xrf0) =	vmax.scan.msk.u32 $0xffff, v19  }
0x18: {  	v19 =	vperm.xlane v17, v4;
	(xrf0) =	vmax.scan.msk.u32 $0xffff, v18;
	_ =	sdelay $0x1  }
0x19: {  	v18 =	vxor.u32 $0x80000000, v19  }
0x1a: {  	(xrf0) =	vmax.scan.msk.u32 $0xffff, v18  }
0x1b: {  	v18 =	vperm.xlane v17, v5;
	v19, _, _ =	vpop (xrf0)  }
0x1c: {  	v55 =	vperm.xlane v17, v6;
	(v2sf) =	vpush v19, $0xF;
	v19, _, _ =	vpop (xrf0)  }
0x1d: {  	v18 =	vxor.u32 $0x80000000, v18;
	(v2sf) =	vpush v19, $0xF;
	v19, _, _ =	vpop (xrf0)  }
0x1e: {  	v21 =	vperm.xlane v17, v7;
	v20 =	vxor.u32 $0x80000000, v55;
	(xrf0) =	vmax.scan.msk.u32 $0xffff, v18;
	(v2sf) =	vpush v19, $0xF  }
0x1f: {  	v56 =	vperm.xlane v17, v8;
	(xrf0) =	vmax.scan.msk.u32 $0xffff, v20  }
0x20: {  	v18 =	vxor.u32 $0x80000000, v21;
	v19, _, _ =	vpop (xrf0)  }
0x21: {  	(xrf0) =	vmax.scan.msk.u32 $0xffff, v18;
	(v2sf) =	vpush v19, $0xF;
	v19 =	vxor.u32 $0x80000000, v56;
	_ =	sdelay $0x1  }
0x22: {  	v18 =	vperm.xlane v17, v9  }
0x23: {  	(xrf0) =	vmax.scan.msk.u32 $0xffff, v19;
	v19, _, _ =	vpop (xrf0)  }
0x24: {  	v57 =	vperm.xlane v17, v10;
	v18 =	vxor.u32 $0x80000000, v18;
	v58, _, _ =	vpop (xrf0);
	(v2sf) =	vpush v19, $0xF  }
0x25: {  	(xrf0) =	vmax.scan.msk.u32 $0xffff, v18;
	(v2sf) =	vpush v58, $0xF  }
0x26: {  	v59 =	vperm.xlane v17, v11;
	v18 =	vxor.u32 $0x80000000, v57;
	v19, _, _ =	vpop (xrf0)  }
0x27: {  	(xrf0) =	vmax.scan.msk.u32 $0xffff, v18;
	(v2sf) =	vpush v19, $0xF  }
0x28: {  	v18 =	vperm.xlane v17, v12;
	v19 =	vxor.u32 $0x80000000, v59  }
0x29: {  	v60, _, _ =	vpop (xrf0)  }
0x2a: {  	v61 =	vperm.xlane v17, v13;
	v18 =	vxor.u32 $0x80000000, v18;
	(xrf0) =	vmax.scan.msk.u32 $0xffff, v19;
	(v2sf) =	vpush v60, $0xF;
	s28 =	spop (v2sf)  }
0x2b: {  	s9 =	simm.s32 $0x80;
	v19, _, _ =	vpop (xrf0);
	s10 =	sshll.u32 s28, $0x4;
	s11 =	spop (v2sf)  }
0x2c: {  	v62 =	vxor.u32 $0x80000000, v61;
	(xrf0) =	vmax.scan.msk.u32 $0xffff, v18;
	(v2sf) =	vpush v19, $0xF;
	s10 =	sand.u32 $0x1FFFFFF0, s10;
	s11 =	sshll.u32 s11, $0x4;
	s12 =	spop (v2sf)  }
0x2d: {  	(xrf0) =	vmax.scan.msk.u32 $0xffff, v62;
	v18, _, _ =	vpop (xrf0);
	v19 =	vperm.xlane v17, v14;
	s10 =	sadd.s32 s3, s10;
	s11 =	sand.u32 $0x1FFFFFF0, s11;
	s12 =	sshll.u32 s12, $0x4  }
0x2e: {  	(v2sf) =	vpush v18, $0xF;
	[hbm4b:s10+s1] =	stream.linear.scatter [tilespmem:s9], [sflag:$0x1], $0x80, $0x38;
	[tilespmem:$0x100] =	vst v63  }
0x2f: {  	v18 =	vperm.xlane v17, v15;
	v19 =	vxor.u32 $0x80000000, v19;
	s29 =	sadd.s32 s3, s11;
	s30 =	sand.u32 $0x1FFFFFF0, s12;
	s31 =	spop (v2sf)  }
0x30: {  	v63, _, _ =	vpop (xrf0);
	[hbm4b:s29+s1] =	stream.linear.scatter [tilespmem:s9], [sflag:$0x1], $0x80, $0x38;
	[tilespmem:$0x100] =	vst v63  }
0x31: {  	(xrf0) =	vmax.scan.msk.u32 $0xffff, v19;
	(v2sf) =	vpush v63, $0xF;
	v18 =	vxor.u32 $0x80000000, v18;
	s11 =	sadd.s32 s3, s30;
	s12 =	sshll.u32 s31, $0x4  }
0x32: {  	v17 =	vperm.xlane v17, v16;
	v19, _, _ =	vpop (xrf0);
	[hbm4b:s11+s1] =	stream.linear.scatter [tilespmem:s9], [sflag:$0x1], $0x80, $0x38;
	[tilespmem:$0x100] =	vst v63  }
0x33: {  	(xrf0) =	vmax.scan.msk.u32 $0xffff, v18;
	(v2sf) =	vpush v19, $0xF;
	s13 =	spop (v2sf);
	s11 =	sand.u32 $0x1FFFFFF0, s12  }
0x34: {  	v17 =	vxor.u32 $0x80000000, v17;
	v18, _, _ =	vpop (xrf0);
	s10 =	sshll.u32 s13, $0x4;
	s14 =	spop (v2sf);
	s11 =	sadd.s32 s3, s11  }
0x35: {  	(v2sf) =	vpush v18, $0xF;
	[hbm4b:s11+s1] =	stream.linear.scatter [tilespmem:s9], [sflag:$0x1], $0x80, $0x38;
	[tilespmem:$0x100] =	vst v63  }
0x36: {  	(xrf0) =	vmax.scan.msk.u32 $0xffff, v17;
	s10 =	sand.u32 $0x1FFFFFF0, s10;
	s15 =	sshll.u32 s14, $0x4;
	s16 =	spop (v2sf)  }
0x37: {  	v17, _, _ =	vpop (xrf0);
	s10 =	sadd.s32 s3, s10;
	s11 =	sand.u32 $0x1FFFFFF0, s15;
	s12 =	sshll.u32 s16, $0x4  }
0x38: {  	(v2sf) =	vpush v17, $0xF;
	[hbm4b:s10+s1] =	stream.linear.scatter [tilespmem:s9], [sflag:$0x1], $0x80, $0x38;
	[tilespmem:$0x100] =	vst v63  }
0x39: {  	v17, _, _ =	vpop (xrf0);
	s17 =	sadd.s32 s3, s11;
	s18 =	spop (v2sf);
	s12 =	sand.u32 $0x1FFFFFF0, s12  }
0x3a: {  	(v2sf) =	vpush v17, $0xF;
	[hbm4b:s17+s1] =	stream.linear.scatter [tilespmem:s9], [sflag:$0x1], $0x80, $0x38;
	[tilespmem:$0x100] =	vst v63  }
0x3b: {  	s19 =	sshll.u32 s18, $0x4;
	s12 =	sadd.s32 s3, s12;
	s20 =	spop (v2sf)  }
0x3c: {  	v17, _, _ =	vpop (xrf0);
	[hbm4b:s12+s1] =	stream.linear.scatter [tilespmem:s9], [sflag:$0x1], $0x80, $0x38;
	[tilespmem:$0x100] =	vst v63  }
0x3d: {  	s10 =	sand.u32 $0x1FFFFFF0, s19;
	(v2sf) =	vpush v17, $0xF;
	s11 =	sshll.u32 s20, $0x4;
	s21 =	spop (v2sf)  }
0x3e: {  	s10 =	sadd.s32 s3, s10;
	s11 =	sand.u32 $0x1FFFFFF0, s11;
	s12 =	sshll.u32 s21, $0x4  }
0x3f: {  	[hbm4b:s10+s1] =	stream.linear.scatter [tilespmem:s9], [sflag:$0x1], $0x80, $0x38;
	[tilespmem:$0x100] =	vst v63  }
0x40: {  	s22 =	sadd.s32 s3, s11;
	s23 =	spop (v2sf);
	s12 =	sand.u32 $0x1FFFFFF0, s12  }
0x41: {  	[hbm4b:s22+s1] =	stream.linear.scatter [tilespmem:s9], [sflag:$0x1], $0x80, $0x38;
	[tilespmem:$0x100] =	vst v63  }
0x42: {  	s24 =	sshll.u32 s23, $0x4;
	s12 =	sadd.s32 s3, s12;
	s25 =	spop (v2sf)  }
0x43: {  	[hbm4b:s12+s1] =	stream.linear.scatter [tilespmem:s9], [sflag:$0x1], $0x80, $0x38;
	[tilespmem:$0x100] =	vst v63  }
0x44: {  	s10 =	sand.u32 $0x1FFFFFF0, s24;
	s11 =	sshll.u32 s25, $0x4;
	s26 =	spop (v2sf)  }
0x45: {  	s10 =	sadd.s32 s3, s10;
	s11 =	sand.u32 $0x1FFFFFF0, s11;
	s12 =	sshll.u32 s26, $0x4  }
0x46: {  	[hbm4b:s10+s1] =	stream.linear.scatter [tilespmem:s9], [sflag:$0x1], $0x80, $0x38;
	[tilespmem:$0x100] =	vst v63  }
0x47: {  	s28 =	sadd.s32 s3, s11;
	s29 =	spop (v2sf);
	s12 =	sand.u32 $0x1FFFFFF0, s12  }
0x48: {  	[hbm4b:s28+s1] =	stream.linear.scatter [tilespmem:s9], [sflag:$0x1], $0x80, $0x38;
	[tilespmem:$0x100] =	vst v63  }
0x49: {  	s11 =	sshll.u32 s29, $0x4;
	s30 =	sadd.s32 s3, s12;
	s13 =	spop (v2sf)  }
0x4a: {  	[hbm4b:s30+s1] =	stream.linear.scatter [tilespmem:s9], [sflag:$0x1], $0x80, $0x38;
	[tilespmem:$0x100] =	vst v63  }
0x4b: {  	s10 =	simm.s32 $0x40;
	s11 =	sand.u32 $0x1FFFFFF0, s11;
	s31 =	sshll.u32 s13, $0x4  }
0x4c: {  	s11 =	sadd.s32 s3, s11;
	s12 =	sand.u32 $0x1FFFFFF0, s31;
	s13 =	spop (v2sf)  }
.LBB2_2:
0x4d: {  	p0 =	sne.s32 s10, $0x1C0;
	s12 =	sadd.s32 s3, s12;
	s13 =	sshll.u32 s13, $0x4  }
0x4e: {  	[hbm4b:s11+s1] =	stream.linear.scatter [tilespmem:s9], [sflag:$0x1], $0x80, $0x38;
	[tilespmem:$0x100] =	vst v63  }
0x4f: {  	s11 =	sand.u32 $0x1FFFFFF0, s13;
	s13 =	smov.u32 s10;
	s10 =	sadd.s32 $0x40, s10  }
0x50: {  	[hbm4b:s12+s1] =	stream.linear.scatter [tilespmem:s9], [sflag:$0x1], $0x80, $0x38;
	[tilespmem:$0x100] =	vst v63  }
0x51: {  	s11 =	sadd.s32 s3, s11;
	s12 =	sshra.s32 s13, $0x2  }
0x52: {  	[hbm4b:s11+s1] =	stream.linear.scatter [tilespmem:s9], [sflag:$0x1], $0x80, $0x38;
	[tilespmem:$0x100] =	vst v63  }
0x53: {  	v17 =	vld [tilespmem:s12+$0x0];
	_ =	sdelay $0x4  }
0x54: {  	v18 =	vperm.xlane v17, v1;
	v19 =	vperm.xlane v17, v2  }
0x55: {  	v20 =	vperm.xlane v17, v3;
	v21 =	vperm.xlane v17, v4  }
0x56: {  	v22 =	vperm.xlane v17, v5;
	v18 =	vxor.u32 $0x80000000, v18;
	v19 =	vxor.u32 $0x80000000, v19  }
0x57: {  	v23 =	vperm.xlane v17, v6;
	v20 =	vxor.u32 $0x80000000, v20;
	v21 =	vxor.u32 $0x80000000, v21;
	(xrf0) =	vmax.scan.msk.u32 $0xffff, v18  }
0x58: {  	v24 =	vperm.xlane v17, v8;
	v18 =	vxor.u32 $0x80000000, v22;
	v22 =	vperm.xlane v17, v7;
	(xrf0) =	vmax.scan.msk.u32 $0xffff, v19  }
0x59: {  	v25 =	vperm.xlane v17, v10;
	v19 =	vxor.u32 $0x80000000, v23;
	v23 =	vperm.xlane v17, v9;
	(xrf0) =	vmax.scan.msk.u32 $0xffff, v20  }
0x5a: {  	v20 =	vxor.u32 $0x80000000, v22;
	v22 =	vxor.u32 $0x80000000, v24;
	v24 =	vperm.xlane v17, v11;
	(xrf0) =	vmax.scan.msk.u32 $0xffff, v21  }
0x5b: {  	v21 =	vxor.u32 $0x80000000, v23;
	v23 =	vxor.u32 $0x80000000, v25;
	v25 =	vperm.xlane v17, v12;
	(xrf0) =	vmax.scan.msk.u32 $0xffff, v18  }
0x5c: {  	v28 =	vperm.xlane v17, v14;
	v18 =	vxor.u32 $0x80000000, v24;
	v24 =	vperm.xlane v17, v13;
	(xrf0) =	vmax.scan.msk.u32 $0xffff, v19  }
0x5d: {  	v29 =	vperm.xlane v17, v15;
	v17 =	vperm.xlane v17, v16;
	v19 =	vxor.u32 $0x80000000, v25;
	v27, _, _ =	vpop (xrf0);
	(xrf0) =	vmax.scan.msk.u32 $0xffff, v20  }
0x5e: {  	v20 =	vxor.u32 $0x80000000, v24;
	v24 =	vxor.u32 $0x80000000, v28;
	(v2sf) =	vpush v27, $0xF;
	v26, _, _ =	vpop (xrf0);
	(xrf0) =	vmax.scan.msk.u32 $0xffff, v22  }
0x5f: {  	v17 =	vxor.u32 $0x80000000, v17;
	v22 =	vxor.u32 $0x80000000, v29;
	(v2sf) =	vpush v26, $0xF;
	v25, _, _ =	vpop (xrf0);
	(xrf0) =	vmax.scan.msk.u32 $0xffff, v21  }
0x60: {  	(v2sf) =	vpush v25, $0xF;
	v21, _, _ =	vpop (xrf0);
	(xrf0) =	vmax.scan.msk.u32 $0xffff, v23  }
0x61: {  	v23, _, _ =	vpop (xrf0);
	(xrf0) =	vmax.scan.msk.u32 $0xffff, v18  }
0x62: {  	v18, _, _ =	vpop (xrf0);
	(xrf0) =	vmax.scan.msk.u32 $0xffff, v19  }
0x63: {  	(v2sf) =	vpush v21, $0xF;
	v19, _, _ =	vpop (xrf0);
	(xrf0) =	vmax.scan.msk.u32 $0xffff, v20  }
0x64: {  	v20, _, _ =	vpop (xrf0);
	(xrf0) =	vmax.scan.msk.u32 $0xffff, v24  }
0x65: {  	(v2sf) =	vpush v23, $0xF;
	v21, _, _ =	vpop (xrf0);
	(xrf0) =	vmax.scan.msk.u32 $0xffff, v22  }
0x66: {  	v22, _, _ =	vpop (xrf0);
	(xrf0) =	vmax.scan.msk.u32 $0xffff, v17  }
0x67: {  	(v2sf) =	vpush v18, $0xF;
	v17, _, _ =	vpop (xrf0)  }
0x68: {  	v18, _, _ =	vpop (xrf0)  }
0x69: {  	v23, _, _ =	vpop (xrf0)  }
0x6a: {  	(v2sf) =	vpush v19, $0xF;
	v19, _, _ =	vpop (xrf0)  }
0x6b: {  	(v2sf) =	vpush v20, $0xF;
	v20, _, _ =	vpop (xrf0)  }
0x6c: {  	v24, _, _ =	vpop (xrf0)  }
0x6d: {  	s11 =	spop (v2sf);
	(v2sf) =	vpush v21, $0xF  }
0x6e: {  	s11 =	sshll.u32 s11, $0x4;
	s12 =	spop (v2sf)  }
0x6f: {  	s11 =	sand.u32 $0x1FFFFFF0, s11;
	s12 =	sshll.u32 s12, $0x4;
	s13 =	spop (v2sf)  }
0x70: {  	s11 =	sadd.s32 s3, s11;
	s12 =	sand.u32 $0x1FFFFFF0, s12;
	s13 =	sshll.u32 s13, $0x4  }
0x71: {  	[hbm4b:s11+s1] =	stream.linear.scatter [tilespmem:s9], [sflag:$0x1], $0x80, $0x38;
	(v2sf) =	vpush v22, $0xF;
	[tilespmem:$0x100] =	vst v63  }
0x72: {  	s11 =	sadd.s32 s3, s12;
	s12 =	sand.u32 $0x1FFFFFF0, s13;
	s13 =	spop (v2sf);
	(v2sf) =	vpush v17, $0xF  }
0x73: {  	[hbm4b:s11+s1] =	stream.linear.scatter [tilespmem:s9], [sflag:$0x1], $0x80, $0x38;
	[tilespmem:$0x100] =	vst v63  }
0x74: {  	s11 =	sadd.s32 s3, s12;
	s12 =	sshll.u32 s13, $0x4;
	s13 =	spop (v2sf);
	(v2sf) =	vpush v18, $0xF  }
0x75: {  	[hbm4b:s11+s1] =	stream.linear.scatter [tilespmem:s9], [sflag:$0x1], $0x80, $0x38;
	[tilespmem:$0x100] =	vst v63  }
0x76: {  	s11 =	sand.u32 $0x1FFFFFF0, s12;
	s12 =	sshll.u32 s13, $0x4;
	s13 =	spop (v2sf)  }
0x77: {  	s11 =	sadd.s32 s3, s11;
	s12 =	sand.u32 $0x1FFFFFF0, s12;
	s13 =	sshll.u32 s13, $0x4  }
0x78: {  	[hbm4b:s11+s1] =	stream.linear.scatter [tilespmem:s9], [sflag:$0x1], $0x80, $0x38;
	(v2sf) =	vpush v23, $0xF;
	[tilespmem:$0x100] =	vst v63  }
0x79: {  	s11 =	sadd.s32 s3, s12;
	s12 =	sand.u32 $0x1FFFFFF0, s13;
	s13 =	spop (v2sf);
	(v2sf) =	vpush v19, $0xF  }
0x7a: {  	s12 =	sadd.s32 s3, s12;
	s13 =	sshll.u32 s13, $0x4;
	s14 =	spop (v2sf)  }
0x7b: {  	[hbm4b:s11+s1] =	stream.linear.scatter [tilespmem:s9], [sflag:$0x1], $0x80, $0x38;
	(v2sf) =	vpush v20, $0xF;
	[tilespmem:$0x100] =	vst v63  }
0x7c: {  	s11 =	sand.u32 $0x1FFFFFF0, s13;
	s13 =	sshll.u32 s14, $0x4;
	s14 =	spop (v2sf)  }
0x7d: {  	[hbm4b:s12+s1] =	stream.linear.scatter [tilespmem:s9], [sflag:$0x1], $0x80, $0x38;
	[tilespmem:$0x100] =	vst v63  }
0x7e: {  	s11 =	sadd.s32 s3, s11;
	s12 =	sand.u32 $0x1FFFFFF0, s13;
	s13 =	sshll.u32 s14, $0x4  }
0x7f: {  	[hbm4b:s11+s1] =	stream.linear.scatter [tilespmem:s9], [sflag:$0x1], $0x80, $0x38;
	(v2sf) =	vpush v24, $0xF;
	[tilespmem:$0x100] =	vst v63  }
0x80: {  	s11 =	sadd.s32 s3, s12;
	s12 =	sand.u32 $0x1FFFFFF0, s13;
	s13 =	spop (v2sf)  }
0x81: {  	s12 =	sadd.s32 s3, s12;
	s13 =	sshll.u32 s13, $0x4;
	s14 =	spop (v2sf)  }
0x82: {  	[hbm4b:s11+s1] =	stream.linear.scatter [tilespmem:s9], [sflag:$0x1], $0x80, $0x38;
	[tilespmem:$0x100] =	vst v63  }
0x83: {  	s11 =	sand.u32 $0x1FFFFFF0, s13;
	s13 =	sshll.u32 s14, $0x4;
	s14 =	spop (v2sf)  }
0x84: {  	[hbm4b:s12+s1] =	stream.linear.scatter [tilespmem:s9], [sflag:$0x1], $0x80, $0x38;
	[tilespmem:$0x100] =	vst v63  }
0x85: {  	s11 =	sadd.s32 s3, s11;
	s12 =	sand.u32 $0x1FFFFFF0, s13;
	s13 =	sshll.u32 s14, $0x4  }
0x86: {  	[hbm4b:s11+s1] =	stream.linear.scatter [tilespmem:s9], [sflag:$0x1], $0x80, $0x38;
	[tilespmem:$0x100] =	vst v63  }
0x87: {  	s11 =	sadd.s32 s3, s12;
	s12 =	sand.u32 $0x1FFFFFF0, s13;
	s13 =	spop (v2sf)  }
0x88: {  	s12 =	sadd.s32 s3, s12;
	s13 =	sshll.u32 s13, $0x4;
	s14 =	spop (v2sf)  }
0x89: {  	[hbm4b:s11+s1] =	stream.linear.scatter [tilespmem:s9], [sflag:$0x1], $0x80, $0x38;
	[tilespmem:$0x100] =	vst v63  }
0x8a: {  	s11 =	sand.u32 $0x1FFFFFF0, s13  }
.Ltmp0:
0x8b: {  	s13 =	sshll.u32 s14, $0x4;
	s14 =	spop (v2sf);
	(pc) =	sbr.rel @p0 .LBB2_2-.Ltmp0, $4  }
0x8c: {  	[hbm4b:s12+s1] =	stream.linear.scatter [tilespmem:s9], [sflag:$0x1], $0x80, $0x38;
	[tilespmem:$0x100] =	vst v63  }
0x8d: {  	s11 =	sadd.s32 s3, s11;
	s12 =	sand.u32 $0x1FFFFFF0, s13;
	s13 =	sshll.u32 s14, $0x4  }
0x8e: {  	[hbm4b:s11+s1] =	stream.linear.scatter [tilespmem:s9], [sflag:$0x1], $0x80, $0x38;
	[tilespmem:$0x100] =	vst v63  }
0x8f: {  	s11 =	sadd.s32 s3, s12;
	s12 =	sand.u32 $0x1FFFFFF0, s13;
	s13 =	spop (v2sf)  }
0x90: {  	s10 =	sshll.u32 s13, $0x4  }
0x91: {  	[hbm4b:s11+s1] =	stream.linear.scatter [tilespmem:s9], [sflag:$0x1], $0x80, $0x38;
	[tilespmem:$0x100] =	vst v63  }
0x92: {  	s31 =	sadd.s32 s3, s12;
	s10 =	sand.u32 $0x1FFFFFF0, s10  }
0x93: {  	[hbm4b:s31+s1] =	stream.linear.scatter [tilespmem:s9], [sflag:$0x1], $0x80, $0x38;
	[tilespmem:$0x100] =	vst v63  }
0x94: {  	s10 =	sadd.s32 s3, s10  }
0x95: {  	[hbm4b:s10+s1] =	stream.linear.scatter [tilespmem:s9], [sflag:$0x1], $0x80, $0x38;
	[tilespmem:$0x100] =	vst v63  }
0x96: {  	_ =	swait.ge [sflag:s7], $0x80  }
0x97: {  	s9 =	simm.s32 $0x7F;
	[sflag:s7] =	ssyncset.done $0x0  }
.LBB2_4:
0x98: {  	p0 =	sne.s32 s9, $0x1;
	s9 =	sadd.s32 $0xFFFFFFFF, s9;
	[sflag:s7] =	ssyncadd.s32 $0xFFFFFF80  }
.Ltmp1:
0x99: {  	(pc) =	sbr.rel @p0 .LBB2_4-.Ltmp1, $3  }
0x9a: {  	_ =	sdelay $0x1  }
0x9b: {  	_ =	swait.ge [sflag:s7], $0x80  }
0x9c: {  	[sflag:s7] =	ssyncset.done $0x0  }
0x9d: {  	s8 =	sadd.s32 $0x1, s8  }
0x9e: {  	p0 =	sne.s32 s8, s5  }
.Ltmp2:
0x9f: {  	_ = 	snop;
	(pc) =	sbr.rel @p0 .LBB2_1-.Ltmp2, $2  }
0xa0: {  	_ =	sdelay $0x2  }
0xa1: {  	[sflag:s7] =	ssyncadd.s32 $0xFFFFFF80  }
0xa2: {  	_ =	sfence.sel $0x180000  }
0xa3: {  	[bflag:$0x0] =	sbarrier.arrive $0xFFFF  }
0xa4: {  	p0 =	sne.s32 s2, $0x0;
	_ =	strace $0x90000047  }
0xa5: {  	s0 =	sadd.s32 @!p0 $0x100000, s0;
	[bflag:$0x2] =	sbarrier.arrive $0xFFFF  }
0xa6: {  	[sflag:s0] =	ssyncadd.tile.s32 @!p0 $0x1;
	_ =	shalt  }
.Lfunc_end2:
_tile_overlayer_lowered:
.L_overlay_start_2:
0xa7: {  	(tag) =	ssettag $0x2  }
0xa8: {  	s0 =	rddreg [dreg:$0x0];
	s2 =	stileid.u32  }
0xa9: {  	s1 =	rddreg [dreg:$0x1];
	p0 =	sne.s32 s2, $0x0  }
0xaa: {  	s3 =	rddreg [dreg:$0x2];
	[bflag:$0x3] =	sbarrier.arrive $0xFFFF;
	s2 =	simm.s32 @!p0 $0x1C02  }
0xab: {  	[timem:s3], [sflag:s2] =	dma.local @!p0 [hbm:s0], s1  }
0xac: {  	s0 =	simm.s32 @!p0 $0x2  }
0xad: {  	_ =	swait.ge @!p0 [sflag:s0], s1  }
0xae: {  	s1 =	ssub.s32 @!p0 $0x0, s1;
	[sflag:s0] =	ssyncset.done @!p0 $0x0  }
0xaf: {  	[sflag:s0] =	ssyncadd.s32 @!p0 s1  }
0xb0: {  	[bflag:$0x3] =	sbarrier.arrive $0xFFFF  }
0xb1: {  	_ =	shalt  }

</sc_bundles>
